<compile_context>
chip_gen: v7x
topology: tpu7x:2x2x1
jax: 0.10.2.dev20260603
libtpu: 0.0.44.dev20260713+nightly
codegen_flags: <defaults>
</compile_context>

<pallas_src>
import functools

import jax
import jax.numpy as jnp
from jax import lax
from jax.experimental import pallas as pl
from jax.experimental.pallas import tpu as pltpu
from jax.experimental.pallas import tpu_sc as plsc

NC = 2
NS = 16
NW = NC * NS


def _make_sc_segsum(n_pad, d, ept_pad, nchunk, ch):
    rows_per_tile = n_pad // NS
    mesh = plsc.VectorSubcoreMesh(
        core_axis_name="c", subcore_axis_name="s", num_cores=NC,
        num_subcores=NS)

    @functools.partial(
        pl.kernel,
        mesh=mesh,
        out_type=jax.ShapeDtypeStruct((NC, n_pad, d), jnp.float32),
        scratch_types=[
            pltpu.VMEM((ept_pad,), jnp.int32),
            pltpu.VMEM((nchunk, ch), jnp.int32),
            pltpu.VMEM((ch, d), jnp.float32),
            pltpu.VMEM_SHARED((n_pad, d), jnp.float32),
            pltpu.SemaphoreType.DMA,
        ],
    )
    def sc_segsum(src_hbm, dst_hbm, h_hbm, out_hbm,
                  src_v, dst_v, rows_v, agg_sh, sem):
        cid = lax.axis_index("c")
        sid = lax.axis_index("s")
        wid = cid * NS + sid

        zv = jnp.zeros((16,), jnp.float32)

        def zrow(r, carry):
            def zcol(j, carry2):
                rows_v[r, pl.ds(j * 16, 16)] = zv
                return carry2
            return lax.fori_loop(0, d // 16, zcol, carry)

        lax.fori_loop(0, ch, zrow, 0)
        base = sid * rows_per_tile
        nfull = rows_per_tile // ch
        for k in range(nfull):
            pltpu.sync_copy(rows_v, agg_sh.at[pl.ds(base + k * ch, ch)])
        rem = rows_per_tile - nfull * ch
        if rem:
            pltpu.sync_copy(rows_v.at[pl.ds(0, rem)],
                            agg_sh.at[pl.ds(base + nfull * ch, rem)])

        pltpu.sync_copy(src_hbm.at[wid], src_v)
        pltpu.sync_copy(dst_hbm.at[wid], dst_v)
        plsc.subcore_barrier()

        def body(c, carry):
            pltpu.async_copy(h_hbm.at[src_v.at[pl.ds(c * ch, ch)]], rows_v,
                             sem).wait()
            pltpu.sync_copy(rows_v, agg_sh.at[dst_v.at[c]], add=True)
            return carry

        lax.fori_loop(0, nchunk, body, 0)
        plsc.subcore_barrier()
        pltpu.sync_copy(agg_sh.at[pl.ds(sid * rows_per_tile, rows_per_tile)],
                        out_hbm.at[cid, pl.ds(sid * rows_per_tile,
                                              rows_per_tile)])

    return sc_segsum


def _mlp_common(p0_ref, p1_ref, h_ref, batch_ref, w1_ref, b1_ref, w2_ref,
                b2_ref, sc_ref, sh_ref, pooled_ref, cnt_ref, rb, g):
    i = pl.program_id(0)
    a = p0_ref[...] + p1_ref[...] + h_ref[...]
    h1 = jnp.maximum(
        jnp.dot(a, w1_ref[...], preferred_element_type=jnp.float32)
        + b1_ref[...], 0.0)
    h2 = jnp.maximum(
        jnp.dot(h1, w2_ref[...], preferred_element_type=jnp.float32)
        + b2_ref[...], 0.0)
    hb = h2 * sc_ref[...] + sh_ref[...]

    bidx = batch_ref[0, 0, :]
    onehot = (lax.broadcasted_iota(jnp.int32, (g, rb), 0)
              == bidx[None, :]).astype(jnp.float32)

    @pl.when(i == 0)
    def _():
        pooled_ref[...] = jnp.zeros_like(pooled_ref)
        cnt_ref[...] = jnp.zeros_like(cnt_ref)

    pooled_ref[...] += jnp.dot(onehot, hb,
                               preferred_element_type=jnp.float32)
    cnt_ref[...] += jnp.broadcast_to(
        jnp.sum(onehot, axis=1)[:, None], cnt_ref.shape)
    return hb


def _mlp_body(p0_ref, p1_ref, h_ref, batch_ref, w1_ref, b1_ref, w2_ref,
              b2_ref, sc_ref, sh_ref, out_ref, pooled_ref, cnt_ref,
              *, rb, g):
    hb = _mlp_common(p0_ref, p1_ref, h_ref, batch_ref, w1_ref, b1_ref,
                     w2_ref, b2_ref, sc_ref, sh_ref, pooled_ref, cnt_ref,
                     rb, g)
    out_ref[...] = hb


def _mlp_head_body(p0_ref, p1_ref, h_ref, batch_ref, w1_ref, b1_ref, w2_ref,
                   b2_ref, sc_ref, sh_ref, pl0_ref, pl1_ref, cntin_ref,
                   l1w_ref, l1b_ref, l2w_ref, l2b_ref, out_ref, pooled_ref,
                   cnt_ref, *, rb, g):
    _mlp_common(p0_ref, p1_ref, h_ref, batch_ref, w1_ref, b1_ref,
                w2_ref, b2_ref, sc_ref, sh_ref, pooled_ref, cnt_ref, rb, g)

    @pl.when(pl.program_id(0) == pl.num_programs(0) - 1)
    def _():
        inv = 1.0 / jnp.maximum(cntin_ref[...], 1.0)
        pooled = jnp.concatenate(
            [pl0_ref[...] * inv, pl1_ref[...] * inv, pooled_ref[...] * inv],
            axis=1)
        hh = jnp.maximum(
            jnp.dot(pooled, l1w_ref[...], preferred_element_type=jnp.float32)
            + l1b_ref[...], 0.0)
        out_ref[...] = (jnp.dot(hh, l2w_ref[...],
                                preferred_element_type=jnp.float32)
                        + l2b_ref[...])


def _make_mlp(n, d, g, rb):
    grid = n // rb
    row_spec = pl.BlockSpec((rb, d), lambda i: (i, 0))
    full = lambda shape: pl.BlockSpec(shape, lambda i: tuple(0 for _ in shape))
    common_in = [
        row_spec, row_spec, row_spec,
        pl.BlockSpec((1, 1, rb), lambda i: (i, 0, 0)),
        full((d, d)), full((1, d)),
        full((d, d)), full((1, d)),
        full((1, d)), full((1, d)),
    ]
    mid = pl.pallas_call(
        functools.partial(_mlp_body, rb=rb, g=g),
        grid=(grid,),
        in_specs=list(common_in),
        out_specs=[
            row_spec,
            full((g, d)),
            full((g, d)),
        ],
        out_shape=[
            jax.ShapeDtypeStruct((n, d), jnp.float32),
            jax.ShapeDtypeStruct((g, d), jnp.float32),
            jax.ShapeDtypeStruct((g, d), jnp.float32),
        ],
    )
    last = pl.pallas_call(
        functools.partial(_mlp_head_body, rb=rb, g=g),
        grid=(grid,),
        in_specs=list(common_in) + [
            full((g, d)), full((g, d)), full((g, d)),
            full((3 * d, d)), full((1, d)),
            full((d, d)), full((1, d)),
        ],
        out_specs=[
            full((g, d)),
            full((g, d)),
            full((g, d)),
        ],
        out_shape=[
            jax.ShapeDtypeStruct((g, d), jnp.float32),
            jax.ShapeDtypeStruct((g, d), jnp.float32),
            jax.ShapeDtypeStruct((g, d), jnp.float32),
        ],
    )
    return mid, last


def kernel(x, edge_index, batch, W1, b1, W2, b2, g, bt, rm, rv,
           lin1_W, lin1_b, lin2_W, lin2_b):
    n, d = x.shape
    e = edge_index.shape[1]
    l = W1.shape[0]
    c = lin2_W.shape[1]
    ng = 64

    ept = e // NW
    ch = 80
    nchunk = -(-ept // ch)
    ept_pad = nchunk * ch
    assert ept * NW == e
    n_pad = ((n + (8 * NS) - 1) // (8 * NS)) * (8 * NS)

    pad = ept_pad - ept
    npr = n_pad - n
    src = jnp.pad(edge_index[0].reshape(NW, ept), ((0, 0), (0, pad)))
    if pad:
        fill = n + ((jnp.arange(pad)[None, :] + 17 * jnp.arange(NW)[:, None])
                    % npr).astype(jnp.int32)
        dst2 = jnp.concatenate(
            [edge_index[1].reshape(NW, ept), fill], axis=1)
    else:
        dst2 = edge_index[1].reshape(NW, ept)
    dst3 = dst2.reshape(NW, nchunk, ch)

    rb = 2000
    batch_r = batch.reshape(n // rb, 1, rb)

    scale = g / jnp.sqrt(rv + 1e-5)
    shift = bt - rm * scale

    sc_segsum = _make_sc_segsum(n_pad, d, ept_pad, nchunk, ch)
    mlp_mid, mlp_last = _make_mlp(n, d, ng, rb)

    lin2_Wp = jnp.zeros((d, d), jnp.float32).at[:, :c].set(lin2_W)
    lin2_bp = jnp.zeros((1, d), jnp.float32).at[0, :c].set(lin2_b)

    h = x
    pooled_parts = []
    cnt = None
    for li in range(l - 1):
        parts = sc_segsum(src, dst3, h)
        h, pooled_l, cnt_l = mlp_mid(
            parts[0], parts[1], h, batch_r,
            W1[li], b1[li].reshape(1, d), W2[li], b2[li].reshape(1, d),
            scale[li].reshape(1, d), shift[li].reshape(1, d))
        pooled_parts.append(pooled_l)
        if li == 0:
            cnt = cnt_l

    li = l - 1
    parts = sc_segsum(src, dst3, h)
    out, _, _ = mlp_last(
        parts[0], parts[1], h, batch_r,
        W1[li], b1[li].reshape(1, d), W2[li], b2[li].reshape(1, d),
        scale[li].reshape(1, d), shift[li].reshape(1, d),
        pooled_parts[0], pooled_parts[1], cnt,
        lin1_W, lin1_b.reshape(1, d), lin2_Wp, lin2_bp)
    return out[:, :c]

# --- scband reference (transcript-rebuilt; emitter-appended) ---
"""Pipeline reference for scband-gin-5643587027248 (READ-ONLY COPY).

The authoritative reference and input builder live on the scoring server;
editing this copy changes nothing except your own understanding.
"""

import jax, jax.numpy as jnp
import numpy as np

N = 10000
E = 320000
D = 128
L = 3
C = 10
G = 64


def _mlp(h, W1, b1, W2, b2, g, bt, rm, rv):
    h = jax.nn.relu(h @ W1 + b1)
    h = jax.nn.relu(h @ W2 + b2)
    # BatchNorm1d in eval mode using running stats (fresh buffers: mean=0, var=1)
    return (h - rm) / jnp.sqrt(rv + 1e-5) * g + bt


def setup_inputs(seed: int = 0):
    key = jax.random.key(seed)
    ks = jax.random.split(key, 12)
    x = jax.random.normal(ks[0], (N, D), dtype=jnp.float32)
    edge_index = jax.random.randint(ks[1], (2, E), 0, N, dtype=jnp.int32)
    batch = jnp.sort(jax.random.randint(ks[2], (N,), 0, G, dtype=jnp.int32))
    s = 1.0 / np.sqrt(D)
    W1 = jax.random.uniform(ks[3], (L, D, D), jnp.float32, -s, s)
    b1 = jax.random.uniform(ks[4], (L, D), jnp.float32, -s, s)
    W2 = jax.random.uniform(ks[5], (L, D, D), jnp.float32, -s, s)
    b2 = jax.random.uniform(ks[6], (L, D), jnp.float32, -s, s)
    g = jnp.ones((L, D), jnp.float32)
    bt = jnp.zeros((L, D), jnp.float32)
    rm = jnp.zeros((L, D), jnp.float32)
    rv = jnp.ones((L, D), jnp.float32)
    s1 = 1.0 / np.sqrt(L * D)
    lin1_W = jax.random.uniform(ks[7], (L * D, D), jnp.float32, -s1, s1)
    lin1_b = jax.random.uniform(ks[8], (D,), jnp.float32, -s1, s1)
    lin2_W = jax.random.uniform(ks[9], (D, C), jnp.float32, -s, s)
    lin2_b = jax.random.uniform(ks[10], (C,), jnp.float32, -s, s)
    return {"x": x, "edge_index": edge_index, "batch": batch, "W1": W1, "b1": b1, "W2": W2, "b2": b2, "g": g, "bt": bt, "rm": rm, "rv": rv, "lin1_W": lin1_W, "lin1_b": lin1_b, "lin2_W": lin2_W, "lin2_b": lin2_b}


def reference(x, edge_index, batch, W1, b1, W2, b2, g, bt, rm, rv, lin1_W, lin1_b, lin2_W, lin2_b):
    src = edge_index[0]
    dst = edge_index[1]
    xs = []
    h = x
    for l in range(L):
        # GINConv (eps=0, train_eps=False): nn((1+eps)*x + sum_{j in N(i)} x_j)
        agg = jax.ops.segment_sum(h[src], dst, num_segments=N)
        h = _mlp(agg + h, W1[l], b1[l], W2[l], b2[l], g[l], bt[l], rm[l], rv[l])
        xs.append(h)
    hc = jnp.concatenate(xs, axis=1)  # JumpingKnowledge mode='cat'
    psum = jax.ops.segment_sum(hc, batch, num_segments=G)
    cnt = jax.ops.segment_sum(jnp.ones((N,), jnp.float32), batch, num_segments=G)
    pooled = psum / jnp.clip(cnt, 1.0)[:, None]  # global_mean_pool
    h = jax.nn.relu(pooled @ lin1_W + lin1_b)
    # dropout identity (eval mode)
    return h @ lin2_W + lin2_b

if __name__ == "__main__":
    import jax
    _d = setup_inputs()
    print(jax.jit(kernel)(*tuple(_d.values())))

</pallas_src>

<mosaic_0001>
#map = affine_map<(d0, d1) -> (0, 0)>
#map1 = affine_map<(d0, d1) -> (0, 0, 0)>
module attributes {stable_mosaic.version = 14 : i64} {
  func.func @sc_segsum(%arg0: i32, %arg1: i32, %arg2: memref<32x10000xi32, #tpu.memory_space<hbm>>, %arg3: memref<32x125x80xi32, #tpu.memory_space<hbm>>, %arg4: memref<10000x128xf32, #tpu.memory_space<hbm>>, %arg5: memref<2x10112x128xf32, #tpu.memory_space<hbm>>, %arg6: memref<10000xi32, #tpu.memory_space<vmem>>, %arg7: memref<125x80xi32, #tpu.memory_space<vmem>>, %arg8: memref<80x128xf32, #tpu.memory_space<vmem>>, %arg9: memref<10112x128xf32, #tpu.memory_space<vmem_shared>>, %arg10: memref<!tpu.dma_semaphore, #tpu.memory_space<semaphore_mem>>) attributes {dimension_semantics = [#tpu.dimension_semantics<core_parallel>, #tpu.dimension_semantics<subcore_parallel>], iteration_bounds = array<i64: 2, 16>, scalar_prefetch = 0 : i64, scratch_operands = 5 : i64, tpu.core_type = #tpu.core_type<sc_vector_subcore>, window_params = [{transform_indices = #map}, {transform_indices = #map1}, {transform_indices = #map}, {transform_indices = #map1}]} {
    %mul3A = arith.constant 16 : i32
    %mul3A_0 = arith.muli %arg0, %mul3A : i32
    %add3A = arith.addi %mul3A_0, %arg1 : i32
    %broadcast_in_dim3A = arith.constant 0.000000e+00 : f32
    %broadcast_in_dim3A_1 = vector.broadcast %broadcast_in_dim3A : f32 to vector<16xf32>
    %scan3A = arith.constant 0 : i32
    %scan3A_2 = arith.constant 0 : i32
    %scan3A_3 = arith.constant 80 : i32
    %scan3A_4 = arith.addi %scan3A_2, %scan3A_3 : i32
    %scan3A_5 = arith.constant 1 : i32
    scf.for %scan3A_36 = %scan3A_2 to %scan3A_4 step %scan3A_5  : i32 {
      %scan3A_37 = arith.constant 0 : i32
      %scan3A_38 = arith.constant 8 : i32
      %scan3A_39 = arith.addi %scan3A_37, %scan3A_38 : i32
      %scan3A_40 = arith.constant 1 : i32
      scf.for %scan3A_42 = %scan3A_37 to %scan3A_39 step %scan3A_40  : i32 {
        %mul3A_43 = arith.constant 16 : i32
        %mul3A_44 = arith.muli %scan3A_42, %mul3A_43 : i32
        %swap3A = arith.index_cast %scan3A_36 : i32 to index
        %swap3A_45 = arith.index_cast %mul3A_44 : i32 to index
        %swap3A_46 = tpu.vector_load %arg8[%swap3A, %swap3A_45] {strides = array<i32>} : memref<80x128xf32, #tpu.memory_space<vmem>>, vector<1x16xf32>,
        %swap3A_47 = vector.shape_cast %swap3A_46 : vector<1x16xf32> to vector<16xf32>
        %swap3A_48 = vector.shape_cast %broadcast_in_dim3A_1 : vector<16xf32> to vector<1x16xf32>
        tpu.vector_store %arg8[%swap3A, %swap3A_45], %swap3A_48 {strides = array<i32>} : memref<80x128xf32, #tpu.memory_space<vmem>>, vector<1x16xf32>,
      }
      %scan3A_41 = arith.constant 8 : i32
    }
    %scan3A_6 = arith.constant 80 : i32
    %mul3A_7 = arith.constant 632 : i32
    %mul3A_8 = arith.muli %arg1, %mul3A_7 : i32
    %add3A_9 = arith.constant 0 : i32
    %add3A_10 = arith.addi %mul3A_8, %add3A_9 : i32
    "tpu.region"() ({
      %run_scoped3A = tpu.sem_alloc : memref<!tpu.dma_semaphore, #tpu.memory_space<semaphore_mem>>
      %dma_start3A = arith.constant 0 : i32
      %dma_start3A_36 = tpu.memref_slice %arg9[%add3A_10, %dma_start3A] : memref<10112x128xf32, #tpu.memory_space<vmem_shared>> -> memref<80x128xf32, #tpu.memory_space<vmem_shared>>
      %dma_start3A_37 = arith.constant 0 : i32
      %dma_start3A_38 = tpu.memref_slice %arg9[%add3A_10, %dma_start3A_37] : memref<10112x128xf32, #tpu.memory_space<vmem_shared>> -> memref<80x128xf32, #tpu.memory_space<vmem_shared>>
      tpu.enqueue_dma source(%arg8 : memref<80x128xf32, #tpu.memory_space<vmem>>) target(%dma_start3A_38 : memref<80x128xf32, #tpu.memory_space<vmem_shared>>) target_semaphore(%run_scoped3A : memref<!tpu.dma_semaphore, #tpu.memory_space<semaphore_mem>>)
      %dma_wait3A = arith.constant 0 : i32
      %dma_wait3A_39 = tpu.memref_slice %arg9[%add3A_10, %dma_wait3A] : memref<10112x128xf32, #tpu.memory_space<vmem_shared>> -> memref<80x128xf32, #tpu.memory_space<vmem_shared>>
      %dma_wait3A_40 = arith.constant 0 : i32
      %dma_wait3A_41 = tpu.memref_slice %arg9[%add3A_10, %dma_wait3A_40] : memref<10112x128xf32, #tpu.memory_space<vmem_shared>> -> memref<80x128xf32, #tpu.memory_space<vmem_shared>>
      tpu.wait_dma2 semaphore(%run_scoped3A : memref<!tpu.dma_semaphore, #tpu.memory_space<semaphore_mem>>) src(%arg8 : memref<80x128xf32, #tpu.memory_space<vmem>>) dst(%dma_wait3A_41 : memref<80x128xf32, #tpu.memory_space<vmem_shared>>)
      tpu.yield
    }) : () -> ()
    %add3A_11 = arith.constant 80 : i32
    %add3A_12 = arith.addi %mul3A_8, %add3A_11 : i32
    "tpu.region"() ({
      %run_scoped3A = tpu.sem_alloc : memref<!tpu.dma_semaphore, #tpu.memory_space<semaphore_mem>>
      %dma_start3A = arith.constant 0 : i32
      %dma_start3A_36 = tpu.memref_slice %arg9[%add3A_12, %dma_start3A] : memref<10112x128xf32, #tpu.memory_space<vmem_shared>> -> memref<80x128xf32, #tpu.memory_space<vmem_shared>>
      %dma_start3A_37 = arith.constant 0 : i32
      %dma_start3A_38 = tpu.memref_slice %arg9[%add3A_12, %dma_start3A_37] : memref<10112x128xf32, #tpu.memory_space<vmem_shared>> -> memref<80x128xf32, #tpu.memory_space<vmem_shared>>
      tpu.enqueue_dma source(%arg8 : memref<80x128xf32, #tpu.memory_space<vmem>>) target(%dma_start3A_38 : memref<80x128xf32, #tpu.memory_space<vmem_shared>>) target_semaphore(%run_scoped3A : memref<!tpu.dma_semaphore, #tpu.memory_space<semaphore_mem>>)
      %dma_wait3A = arith.constant 0 : i32
      %dma_wait3A_39 = tpu.memref_slice %arg9[%add3A_12, %dma_wait3A] : memref<10112x128xf32, #tpu.memory_space<vmem_shared>> -> memref<80x128xf32, #tpu.memory_space<vmem_shared>>
      %dma_wait3A_40 = arith.constant 0 : i32
      %dma_wait3A_41 = tpu.memref_slice %arg9[%add3A_12, %dma_wait3A_40] : memref<10112x128xf32, #tpu.memory_space<vmem_shared>> -> memref<80x128xf32, #tpu.memory_space<vmem_shared>>
      tpu.wait_dma2 semaphore(%run_scoped3A : memref<!tpu.dma_semaphore, #tpu.memory_space<semaphore_mem>>) src(%arg8 : memref<80x128xf32, #tpu.memory_space<vmem>>) dst(%dma_wait3A_41 : memref<80x128xf32, #tpu.memory_space<vmem_shared>>)
      tpu.yield
    }) : () -> ()
    %add3A_13 = arith.constant 160 : i32
    %add3A_14 = arith.addi %mul3A_8, %add3A_13 : i32
    "tpu.region"() ({
      %run_scoped3A = tpu.sem_alloc : memref<!tpu.dma_semaphore, #tpu.memory_space<semaphore_mem>>
      %dma_start3A = arith.constant 0 : i32
      %dma_start3A_36 = tpu.memref_slice %arg9[%add3A_14, %dma_start3A] : memref<10112x128xf32, #tpu.memory_space<vmem_shared>> -> memref<80x128xf32, #tpu.memory_space<vmem_shared>>
      %dma_start3A_37 = arith.constant 0 : i32
      %dma_start3A_38 = tpu.memref_slice %arg9[%add3A_14, %dma_start3A_37] : memref<10112x128xf32, #tpu.memory_space<vmem_shared>> -> memref<80x128xf32, #tpu.memory_space<vmem_shared>>
      tpu.enqueue_dma source(%arg8 : memref<80x128xf32, #tpu.memory_space<vmem>>) target(%dma_start3A_38 : memref<80x128xf32, #tpu.memory_space<vmem_shared>>) target_semaphore(%run_scoped3A : memref<!tpu.dma_semaphore, #tpu.memory_space<semaphore_mem>>)
      %dma_wait3A = arith.constant 0 : i32
      %dma_wait3A_39 = tpu.memref_slice %arg9[%add3A_14, %dma_wait3A] : memref<10112x128xf32, #tpu.memory_space<vmem_shared>> -> memref<80x128xf32, #tpu.memory_space<vmem_shared>>
      %dma_wait3A_40 = arith.constant 0 : i32
      %dma_wait3A_41 = tpu.memref_slice %arg9[%add3A_14, %dma_wait3A_40] : memref<10112x128xf32, #tpu.memory_space<vmem_shared>> -> memref<80x128xf32, #tpu.memory_space<vmem_shared>>
      tpu.wait_dma2 semaphore(%run_scoped3A : memref<!tpu.dma_semaphore, #tpu.memory_space<semaphore_mem>>) src(%arg8 : memref<80x128xf32, #tpu.memory_space<vmem>>) dst(%dma_wait3A_41 : memref<80x128xf32, #tpu.memory_space<vmem_shared>>)
      tpu.yield
    }) : () -> ()
    %add3A_15 = arith.constant 240 : i32
    %add3A_16 = arith.addi %mul3A_8, %add3A_15 : i32
    "tpu.region"() ({
      %run_scoped3A = tpu.sem_alloc : memref<!tpu.dma_semaphore, #tpu.memory_space<semaphore_mem>>
      %dma_start3A = arith.constant 0 : i32
      %dma_start3A_36 = tpu.memref_slice %arg9[%add3A_16, %dma_start3A] : memref<10112x128xf32, #tpu.memory_space<vmem_shared>> -> memref<80x128xf32, #tpu.memory_space<vmem_shared>>
      %dma_start3A_37 = arith.constant 0 : i32
      %dma_start3A_38 = tpu.memref_slice %arg9[%add3A_16, %dma_start3A_37] : memref<10112x128xf32, #tpu.memory_space<vmem_shared>> -> memref<80x128xf32, #tpu.memory_space<vmem_shared>>
      tpu.enqueue_dma source(%arg8 : memref<80x128xf32, #tpu.memory_space<vmem>>) target(%dma_start3A_38 : memref<80x128xf32, #tpu.memory_space<vmem_shared>>) target_semaphore(%run_scoped3A : memref<!tpu.dma_semaphore, #tpu.memory_space<semaphore_mem>>)
      %dma_wait3A = arith.constant 0 : i32
      %dma_wait3A_39 = tpu.memref_slice %arg9[%add3A_16, %dma_wait3A] : memref<10112x128xf32, #tpu.memory_space<vmem_shared>> -> memref<80x128xf32, #tpu.memory_space<vmem_shared>>
      %dma_wait3A_40 = arith.constant 0 : i32
      %dma_wait3A_41 = tpu.memref_slice %arg9[%add3A_16, %dma_wait3A_40] : memref<10112x128xf32, #tpu.memory_space<vmem_shared>> -> memref<80x128xf32, #tpu.memory_space<vmem_shared>>
      tpu.wait_dma2 semaphore(%run_scoped3A : memref<!tpu.dma_semaphore, #tpu.memory_space<semaphore_mem>>) src(%arg8 : memref<80x128xf32, #tpu.memory_space<vmem>>) dst(%dma_wait3A_41 : memref<80x128xf32, #tpu.memory_space<vmem_shared>>)
      tpu.yield
    }) : () -> ()
    %add3A_17 = arith.constant 320 : i32
    %add3A_18 = arith.addi %mul3A_8, %add3A_17 : i32
    "tpu.region"() ({
      %run_scoped3A = tpu.sem_alloc : memref<!tpu.dma_semaphore, #tpu.memory_space<semaphore_mem>>
      %dma_start3A = arith.constant 0 : i32
      %dma_start3A_36 = tpu.memref_slice %arg9[%add3A_18, %dma_start3A] : memref<10112x128xf32, #tpu.memory_space<vmem_shared>> -> memref<80x128xf32, #tpu.memory_space<vmem_shared>>
      %dma_start3A_37 = arith.constant 0 : i32
      %dma_start3A_38 = tpu.memref_slice %arg9[%add3A_18, %dma_start3A_37] : memref<10112x128xf32, #tpu.memory_space<vmem_shared>> -> memref<80x128xf32, #tpu.memory_space<vmem_shared>>
      tpu.enqueue_dma source(%arg8 : memref<80x128xf32, #tpu.memory_space<vmem>>) target(%dma_start3A_38 : memref<80x128xf32, #tpu.memory_space<vmem_shared>>) target_semaphore(%run_scoped3A : memref<!tpu.dma_semaphore, #tpu.memory_space<semaphore_mem>>)
      %dma_wait3A = arith.constant 0 : i32
      %dma_wait3A_39 = tpu.memref_slice %arg9[%add3A_18, %dma_wait3A] : memref<10112x128xf32, #tpu.memory_space<vmem_shared>> -> memref<80x128xf32, #tpu.memory_space<vmem_shared>>
      %dma_wait3A_40 = arith.constant 0 : i32
      %dma_wait3A_41 = tpu.memref_slice %arg9[%add3A_18, %dma_wait3A_40] : memref<10112x128xf32, #tpu.memory_space<vmem_shared>> -> memref<80x128xf32, #tpu.memory_space<vmem_shared>>
      tpu.wait_dma2 semaphore(%run_scoped3A : memref<!tpu.dma_semaphore, #tpu.memory_space<semaphore_mem>>) src(%arg8 : memref<80x128xf32, #tpu.memory_space<vmem>>) dst(%dma_wait3A_41 : memref<80x128xf32, #tpu.memory_space<vmem_shared>>)
      tpu.yield
    }) : () -> ()
    %add3A_19 = arith.constant 400 : i32
    %add3A_20 = arith.addi %mul3A_8, %add3A_19 : i32
    "tpu.region"() ({
      %run_scoped3A = tpu.sem_alloc : memref<!tpu.dma_semaphore, #tpu.memory_space<semaphore_mem>>
      %dma_start3A = arith.constant 0 : i32
      %dma_start3A_36 = tpu.memref_slice %arg9[%add3A_20, %dma_start3A] : memref<10112x128xf32, #tpu.memory_space<vmem_shared>> -> memref<80x128xf32, #tpu.memory_space<vmem_shared>>
      %dma_start3A_37 = arith.constant 0 : i32
      %dma_start3A_38 = tpu.memref_slice %arg9[%add3A_20, %dma_start3A_37] : memref<10112x128xf32, #tpu.memory_space<vmem_shared>> -> memref<80x128xf32, #tpu.memory_space<vmem_shared>>
      tpu.enqueue_dma source(%arg8 : memref<80x128xf32, #tpu.memory_space<vmem>>) target(%dma_start3A_38 : memref<80x128xf32, #tpu.memory_space<vmem_shared>>) target_semaphore(%run_scoped3A : memref<!tpu.dma_semaphore, #tpu.memory_space<semaphore_mem>>)
      %dma_wait3A = arith.constant 0 : i32
      %dma_wait3A_39 = tpu.memref_slice %arg9[%add3A_20, %dma_wait3A] : memref<10112x128xf32, #tpu.memory_space<vmem_shared>> -> memref<80x128xf32, #tpu.memory_space<vmem_shared>>
      %dma_wait3A_40 = arith.constant 0 : i32
      %dma_wait3A_41 = tpu.memref_slice %arg9[%add3A_20, %dma_wait3A_40] : memref<10112x128xf32, #tpu.memory_space<vmem_shared>> -> memref<80x128xf32, #tpu.memory_space<vmem_shared>>
      tpu.wait_dma2 semaphore(%run_scoped3A : memref<!tpu.dma_semaphore, #tpu.memory_space<semaphore_mem>>) src(%arg8 : memref<80x128xf32, #tpu.memory_space<vmem>>) dst(%dma_wait3A_41 : memref<80x128xf32, #tpu.memory_space<vmem_shared>>)
      tpu.yield
    }) : () -> ()
    %add3A_21 = arith.constant 480 : i32
    %add3A_22 = arith.addi %mul3A_8, %add3A_21 : i32
    "tpu.region"() ({
      %run_scoped3A = tpu.sem_alloc : memref<!tpu.dma_semaphore, #tpu.memory_space<semaphore_mem>>
      %dma_start3A = arith.constant 0 : i32
      %dma_start3A_36 = tpu.memref_slice %arg9[%add3A_22, %dma_start3A] : memref<10112x128xf32, #tpu.memory_space<vmem_shared>> -> memref<80x128xf32, #tpu.memory_space<vmem_shared>>
      %dma_start3A_37 = arith.constant 0 : i32
      %dma_start3A_38 = tpu.memref_slice %arg9[%add3A_22, %dma_start3A_37] : memref<10112x128xf32, #tpu.memory_space<vmem_shared>> -> memref<80x128xf32, #tpu.memory_space<vmem_shared>>
      tpu.enqueue_dma source(%arg8 : memref<80x128xf32, #tpu.memory_space<vmem>>) target(%dma_start3A_38 : memref<80x128xf32, #tpu.memory_space<vmem_shared>>) target_semaphore(%run_scoped3A : memref<!tpu.dma_semaphore, #tpu.memory_space<semaphore_mem>>)
      %dma_wait3A = arith.constant 0 : i32
      %dma_wait3A_39 = tpu.memref_slice %arg9[%add3A_22, %dma_wait3A] : memref<10112x128xf32, #tpu.memory_space<vmem_shared>> -> memref<80x128xf32, #tpu.memory_space<vmem_shared>>
      %dma_wait3A_40 = arith.constant 0 : i32
      %dma_wait3A_41 = tpu.memref_slice %arg9[%add3A_22, %dma_wait3A_40] : memref<10112x128xf32, #tpu.memory_space<vmem_shared>> -> memref<80x128xf32, #tpu.memory_space<vmem_shared>>
      tpu.wait_dma2 semaphore(%run_scoped3A : memref<!tpu.dma_semaphore, #tpu.memory_space<semaphore_mem>>) src(%arg8 : memref<80x128xf32, #tpu.memory_space<vmem>>) dst(%dma_wait3A_41 : memref<80x128xf32, #tpu.memory_space<vmem_shared>>)
      tpu.yield
    }) : () -> ()
    %add3A_23 = arith.constant 560 : i32
    %add3A_24 = arith.addi %mul3A_8, %add3A_23 : i32
    "tpu.region"() ({
      %run_scoped3A = tpu.sem_alloc : memref<!tpu.dma_semaphore, #tpu.memory_space<semaphore_mem>>
      %dma_start3A = arith.constant 0 : i32
      %dma_start3A_36 = arith.constant 0 : i32
      %dma_start3A_37 = tpu.memref_slice %arg8[%dma_start3A, %dma_start3A_36] : memref<80x128xf32, #tpu.memory_space<vmem>> -> memref<72x128xf32, #tpu.memory_space<vmem>>
      %dma_start3A_38 = arith.constant 0 : i32
      %dma_start3A_39 = tpu.memref_slice %arg9[%add3A_24, %dma_start3A_38] : memref<10112x128xf32, #tpu.memory_space<vmem_shared>> -> memref<72x128xf32, #tpu.memory_space<vmem_shared>>
      %dma_start3A_40 = arith.constant 0 : i32
      %dma_start3A_41 = tpu.memref_slice %arg9[%add3A_24, %dma_start3A_40] : memref<10112x128xf32, #tpu.memory_space<vmem_shared>> -> memref<72x128xf32, #tpu.memory_space<vmem_shared>>
      %dma_start3A_42 = arith.constant 0 : i32
      %dma_start3A_43 = arith.constant 0 : i32
      %dma_start3A_44 = tpu.memref_slice %arg8[%dma_start3A_42, %dma_start3A_43] : memref<80x128xf32, #tpu.memory_space<vmem>> -> memref<72x128xf32, #tpu.memory_space<vmem>>
      tpu.enqueue_dma source(%dma_start3A_44 : memref<72x128xf32, #tpu.memory_space<vmem>>) target(%dma_start3A_41 : memref<72x128xf32, #tpu.memory_space<vmem_shared>>) target_semaphore(%run_scoped3A : memref<!tpu.dma_semaphore, #tpu.memory_space<semaphore_mem>>)
      %dma_wait3A = arith.constant 0 : i32
      %dma_wait3A_45 = arith.constant 0 : i32
      %dma_wait3A_46 = tpu.memref_slice %arg8[%dma_wait3A, %dma_wait3A_45] : memref<80x128xf32, #tpu.memory_space<vmem>> -> memref<72x128xf32, #tpu.memory_space<vmem>>
      %dma_wait3A_47 = arith.constant 0 : i32
      %dma_wait3A_48 = tpu.memref_slice %arg9[%add3A_24, %dma_wait3A_47] : memref<10112x128xf32, #tpu.memory_space<vmem_shared>> -> memref<72x128xf32, #tpu.memory_space<vmem_shared>>
      %dma_wait3A_49 = arith.constant 0 : i32
      %dma_wait3A_50 = tpu.memref_slice %arg9[%add3A_24, %dma_wait3A_49] : memref<10112x128xf32, #tpu.memory_space<vmem_shared>> -> memref<72x128xf32, #tpu.memory_space<vmem_shared>>
      %dma_wait3A_51 = arith.constant 0 : i32
      %dma_wait3A_52 = arith.constant 0 : i32
      %dma_wait3A_53 = tpu.memref_slice %arg8[%dma_wait3A_51, %dma_wait3A_52] : memref<80x128xf32, #tpu.memory_space<vmem>> -> memref<72x128xf32, #tpu.memory_space<vmem>>
      tpu.wait_dma2 semaphore(%run_scoped3A : memref<!tpu.dma_semaphore, #tpu.memory_space<semaphore_mem>>) src(%dma_wait3A_53 : memref<72x128xf32, #tpu.memory_space<vmem>>) dst(%dma_wait3A_50 : memref<72x128xf32, #tpu.memory_space<vmem_shared>>)
      tpu.yield
    }) : () -> ()
    "tpu.region"() ({
      %run_scoped3A = tpu.sem_alloc : memref<!tpu.dma_semaphore, #tpu.memory_space<semaphore_mem>>
      %dma_start3A = arith.constant 0 : i32
      %dma_start3A_36 = tpu.memref_slice %arg2[%add3A, %dma_start3A] : memref<32x10000xi32, #tpu.memory_space<hbm>> -> memref<1x10000xi32, #tpu.memory_space<hbm>>
      %dma_start3A_37 = tpu.memref_squeeze %dma_start3A_36 : memref<1x10000xi32, #tpu.memory_space<hbm>> -> memref<10000xi32, #tpu.memory_space<hbm>>
      %dma_start3A_38 = arith.constant 0 : i32
      %dma_start3A_39 = tpu.memref_slice %arg2[%add3A, %dma_start3A_38] : memref<32x10000xi32, #tpu.memory_space<hbm>> -> memref<1x10000xi32, #tpu.memory_space<hbm>>
      %dma_start3A_40 = tpu.memref_squeeze %dma_start3A_39 : memref<1x10000xi32, #tpu.memory_space<hbm>> -> memref<10000xi32, #tpu.memory_space<hbm>>
      tpu.enqueue_dma source(%dma_start3A_40 : memref<10000xi32, #tpu.memory_space<hbm>>) target(%arg6 : memref<10000xi32, #tpu.memory_space<vmem>>) target_semaphore(%run_scoped3A : memref<!tpu.dma_semaphore, #tpu.memory_space<semaphore_mem>>)
      %dma_wait3A = arith.constant 0 : i32
      %dma_wait3A_41 = tpu.memref_slice %arg2[%add3A, %dma_wait3A] : memref<32x10000xi32, #tpu.memory_space<hbm>> -> memref<1x10000xi32, #tpu.memory_space<hbm>>
      %dma_wait3A_42 = tpu.memref_squeeze %dma_wait3A_41 : memref<1x10000xi32, #tpu.memory_space<hbm>> -> memref<10000xi32, #tpu.memory_space<hbm>>
      %dma_wait3A_43 = arith.constant 0 : i32
      %dma_wait3A_44 = tpu.memref_slice %arg2[%add3A, %dma_wait3A_43] : memref<32x10000xi32, #tpu.memory_space<hbm>> -> memref<1x10000xi32, #tpu.memory_space<hbm>>
      %dma_wait3A_45 = tpu.memref_squeeze %dma_wait3A_44 : memref<1x10000xi32, #tpu.memory_space<hbm>> -> memref<10000xi32, #tpu.memory_space<hbm>>
      tpu.wait_dma2 semaphore(%run_scoped3A : memref<!tpu.dma_semaphore, #tpu.memory_space<semaphore_mem>>) src(%dma_wait3A_45 : memref<10000xi32, #tpu.memory_space<hbm>>) dst(%arg6 : memref<10000xi32, #tpu.memory_space<vmem>>)
      tpu.yield
    }) : () -> ()
    "tpu.region"() ({
      %run_scoped3A = tpu.sem_alloc : memref<!tpu.dma_semaphore, #tpu.memory_space<semaphore_mem>>
      %dma_start3A = arith.constant 0 : i32
      %dma_start3A_36 = arith.constant 0 : i32
      %dma_start3A_37 = tpu.memref_slice %arg3[%add3A, %dma_start3A, %dma_start3A_36] : memref<32x125x80xi32, #tpu.memory_space<hbm>> -> memref<1x125x80xi32, #tpu.memory_space<hbm>>
      %dma_start3A_38 = tpu.memref_squeeze %dma_start3A_37 : memref<1x125x80xi32, #tpu.memory_space<hbm>> -> memref<125x80xi32, #tpu.memory_space<hbm>>
      %dma_start3A_39 = arith.constant 0 : i32
      %dma_start3A_40 = arith.constant 0 : i32
      %dma_start3A_41 = tpu.memref_slice %arg3[%add3A, %dma_start3A_39, %dma_start3A_40] : memref<32x125x80xi32, #tpu.memory_space<hbm>> -> memref<1x125x80xi32, #tpu.memory_space<hbm>>
      %dma_start3A_42 = tpu.memref_squeeze %dma_start3A_41 : memref<1x125x80xi32, #tpu.memory_space<hbm>> -> memref<125x80xi32, #tpu.memory_space<hbm>>
      tpu.enqueue_dma source(%dma_start3A_42 : memref<125x80xi32, #tpu.memory_space<hbm>>) target(%arg7 : memref<125x80xi32, #tpu.memory_space<vmem>>) target_semaphore(%run_scoped3A : memref<!tpu.dma_semaphore, #tpu.memory_space<semaphore_mem>>)
      %dma_wait3A = arith.constant 0 : i32
      %dma_wait3A_43 = arith.constant 0 : i32
      %dma_wait3A_44 = tpu.memref_slice %arg3[%add3A, %dma_wait3A, %dma_wait3A_43] : memref<32x125x80xi32, #tpu.memory_space<hbm>> -> memref<1x125x80xi32, #tpu.memory_space<hbm>>
      %dma_wait3A_45 = tpu.memref_squeeze %dma_wait3A_44 : memref<1x125x80xi32, #tpu.memory_space<hbm>> -> memref<125x80xi32, #tpu.memory_space<hbm>>
      %dma_wait3A_46 = arith.constant 0 : i32
      %dma_wait3A_47 = arith.constant 0 : i32
      %dma_wait3A_48 = tpu.memref_slice %arg3[%add3A, %dma_wait3A_46, %dma_wait3A_47] : memref<32x125x80xi32, #tpu.memory_space<hbm>> -> memref<1x125x80xi32, #tpu.memory_space<hbm>>
      %dma_wait3A_49 = tpu.memref_squeeze %dma_wait3A_48 : memref<1x125x80xi32, #tpu.memory_space<hbm>> -> memref<125x80xi32, #tpu.memory_space<hbm>>
      tpu.wait_dma2 semaphore(%run_scoped3A : memref<!tpu.dma_semaphore, #tpu.memory_space<semaphore_mem>>) src(%dma_wait3A_49 : memref<125x80xi32, #tpu.memory_space<hbm>>) dst(%arg7 : memref<125x80xi32, #tpu.memory_space<vmem>>)
      tpu.yield
    }) : () -> ()
    %barrier3A = arith.constant 0 : index
    tpu.barrier barrier_id(%barrier3A)
    %scan3A_25 = arith.constant 0 : i32
    %scan3A_26 = arith.constant 0 : i32
    %scan3A_27 = arith.constant 125 : i32
    %scan3A_28 = arith.addi %scan3A_26, %scan3A_27 : i32
    %scan3A_29 = arith.constant 1 : i32
    scf.for %scan3A_36 = %scan3A_26 to %scan3A_28 step %scan3A_29  : i32 {
      %mul3A_37 = arith.constant 80 : i32
      %mul3A_38 = arith.muli %scan3A_36, %mul3A_37 : i32
      %dma_start3A = tpu.memref_slice %arg6[%mul3A_38] : memref<10000xi32, #tpu.memory_space<vmem>> -> memref<80xi32, #tpu.memory_space<vmem>>
      %dma_start3A_39 = arith.constant 0 : i32
      %dma_start3A_40 = arith.constant 0 : i32
      %dma_start3A_41 = tpu.memref_slice %arg4[%dma_start3A_39, %dma_start3A_40] : memref<10000x128xf32, #tpu.memory_space<hbm>> -> memref<10000x128xf32, #tpu.memory_space<hbm>>
      tpu.enqueue_indirect_dma source(%dma_start3A_41 : memref<10000x128xf32, #tpu.memory_space<hbm>>) target(%arg8 : memref<80x128xf32, #tpu.memory_space<vmem>>) offsets(%dma_start3A : memref<80xi32, #tpu.memory_space<vmem>>) semaphore(%arg10 : memref<!tpu.dma_semaphore, #tpu.memory_space<semaphore_mem>>)
      %dma_wait3A = tpu.memref_slice %arg6[%mul3A_38] : memref<10000xi32, #tpu.memory_space<vmem>> -> memref<80xi32, #tpu.memory_space<vmem>>
      %dma_wait3A_42 = arith.constant 0 : i32
      %dma_wait3A_43 = arith.constant 0 : i32
      %dma_wait3A_44 = tpu.memref_slice %arg4[%dma_wait3A_42, %dma_wait3A_43] : memref<10000x128xf32, #tpu.memory_space<hbm>> -> memref<10000x128xf32, #tpu.memory_space<hbm>>
      tpu.wait_indirect_dma semaphore(%arg10 : memref<!tpu.dma_semaphore, #tpu.memory_space<semaphore_mem>>) src(%dma_wait3A_44 : memref<10000x128xf32, #tpu.memory_space<hbm>>) dst(%arg8 : memref<80x128xf32, #tpu.memory_space<vmem>>)
      "tpu.region"() ({
        %run_scoped3A = tpu.sem_alloc : memref<!tpu.dma_semaphore, #tpu.memory_space<semaphore_mem>>
        %dma_start3A_45 = arith.constant 0 : i32
        %dma_start3A_46 = tpu.memref_slice %arg7[%scan3A_36, %dma_start3A_45] : memref<125x80xi32, #tpu.memory_space<vmem>> -> memref<1x80xi32, #tpu.memory_space<vmem>>
        %dma_start3A_47 = tpu.memref_squeeze %dma_start3A_46 : memref<1x80xi32, #tpu.memory_space<vmem>> -> memref<80xi32, #tpu.memory_space<vmem>>
        %dma_start3A_48 = arith.constant 0 : i32
        %dma_start3A_49 = arith.constant 0 : i32
        %dma_start3A_50 = tpu.memref_slice %arg9[%dma_start3A_48, %dma_start3A_49] : memref<10112x128xf32, #tpu.memory_space<vmem_shared>> -> memref<10112x128xf32, #tpu.memory_space<vmem_shared>>
        tpu.enqueue_indirect_dma source(%arg8 : memref<80x128xf32, #tpu.memory_space<vmem>>) target(%dma_start3A_50 : memref<10112x128xf32, #tpu.memory_space<vmem_shared>>) offsets(%dma_start3A_47 : memref<80xi32, #tpu.memory_space<vmem>>) semaphore(%run_scoped3A : memref<!tpu.dma_semaphore, #tpu.memory_space<semaphore_mem>>) {add = true}
        %dma_wait3A_51 = arith.constant 0 : i32
        %dma_wait3A_52 = tpu.memref_slice %arg7[%scan3A_36, %dma_wait3A_51] : memref<125x80xi32, #tpu.memory_space<vmem>> -> memref<1x80xi32, #tpu.memory_space<vmem>>
        %dma_wait3A_53 = tpu.memref_squeeze %dma_wait3A_52 : memref<1x80xi32, #tpu.memory_space<vmem>> -> memref<80xi32, #tpu.memory_space<vmem>>
        %dma_wait3A_54 = arith.constant 0 : i32
        %dma_wait3A_55 = arith.constant 0 : i32
        %dma_wait3A_56 = tpu.memref_slice %arg9[%dma_wait3A_54, %dma_wait3A_55] : memref<10112x128xf32, #tpu.memory_space<vmem_shared>> -> memref<10112x128xf32, #tpu.memory_space<vmem_shared>>
        tpu.wait_indirect_dma semaphore(%run_scoped3A : memref<!tpu.dma_semaphore, #tpu.memory_space<semaphore_mem>>) src(%arg8 : memref<80x128xf32, #tpu.memory_space<vmem>>) dst(%dma_wait3A_56 : memref<10112x128xf32, #tpu.memory_space<vmem_shared>>)
        tpu.yield
      }) : () -> ()
    }
    %scan3A_30 = arith.constant 125 : i32
    %barrier3A_31 = arith.constant 0 : index
    tpu.barrier barrier_id(%barrier3A_31)
    %mul3A_32 = arith.constant 632 : i32
    %mul3A_33 = arith.muli %arg1, %mul3A_32 : i32
    %mul3A_34 = arith.constant 632 : i32
    %mul3A_35 = arith.muli %arg1, %mul3A_34 : i32
    "tpu.region"() ({
      %run_scoped3A = tpu.sem_alloc : memref<!tpu.dma_semaphore, #tpu.memory_space<semaphore_mem>>
      %dma_start3A = arith.constant 0 : i32
      %dma_start3A_36 = tpu.memref_slice %arg5[%arg0, %mul3A_35, %dma_start3A] : memref<2x10112x128xf32, #tpu.memory_space<hbm>> -> memref<1x632x128xf32, #tpu.memory_space<hbm>>
      %dma_start3A_37 = tpu.memref_squeeze %dma_start3A_36 : memref<1x632x128xf32, #tpu.memory_space<hbm>> -> memref<632x128xf32, #tpu.memory_space<hbm>>
      %dma_start3A_38 = arith.constant 0 : i32
      %dma_start3A_39 = tpu.memref_slice %arg9[%mul3A_33, %dma_start3A_38] : memref<10112x128xf32, #tpu.memory_space<vmem_shared>> -> memref<632x128xf32, #tpu.memory_space<vmem_shared>>
      tpu.enqueue_dma source(%dma_start3A_39 : memref<632x128xf32, #tpu.memory_space<vmem_shared>>) target(%dma_start3A_37 : memref<632x128xf32, #tpu.memory_space<hbm>>) target_semaphore(%run_scoped3A : memref<!tpu.dma_semaphore, #tpu.memory_space<semaphore_mem>>)
      %dma_wait3A = arith.constant 0 : i32
      %dma_wait3A_40 = tpu.memref_slice %arg5[%arg0, %mul3A_35, %dma_wait3A] : memref<2x10112x128xf32, #tpu.memory_space<hbm>> -> memref<1x632x128xf32, #tpu.memory_space<hbm>>
      %dma_wait3A_41 = tpu.memref_squeeze %dma_wait3A_40 : memref<1x632x128xf32, #tpu.memory_space<hbm>> -> memref<632x128xf32, #tpu.memory_space<hbm>>
      %dma_wait3A_42 = arith.constant 0 : i32
      %dma_wait3A_43 = tpu.memref_slice %arg9[%mul3A_33, %dma_wait3A_42] : memref<10112x128xf32, #tpu.memory_space<vmem_shared>> -> memref<632x128xf32, #tpu.memory_space<vmem_shared>>
      tpu.wait_dma2 semaphore(%run_scoped3A : memref<!tpu.dma_semaphore, #tpu.memory_space<semaphore_mem>>) src(%dma_wait3A_43 : memref<632x128xf32, #tpu.memory_space<vmem_shared>>) dst(%dma_wait3A_41 : memref<632x128xf32, #tpu.memory_space<hbm>>)
      tpu.yield
    }) : () -> ()
    return
  }
}

#map = affine_map<(d0, d1) -> (0, 0)>
#map1 = affine_map<(d0, d1) -> (0, 0, 0)>
module attributes {stable_mosaic.version = 14 : i64} {
  func.func @sc_segsum(%arg0: i32, %arg1: i32, %arg2: memref<32x10000xi32, #tpu.memory_space<hbm>>, %arg3: memref<32x125x80xi32, #tpu.memory_space<hbm>>, %arg4: memref<10000x128xf32, #tpu.memory_space<hbm>>, %arg5: memref<2x10112x128xf32, #tpu.memory_space<hbm>>, %arg6: memref<10000xi32, #tpu.memory_space<vmem>>, %arg7: memref<125x80xi32, #tpu.memory_space<vmem>>, %arg8: memref<80x128xf32, #tpu.memory_space<vmem>>, %arg9: memref<10112x128xf32, #tpu.memory_space<vmem_shared>>, %arg10: memref<!tpu.dma_semaphore, #tpu.memory_space<semaphore_mem>>) attributes {dimension_semantics = [#tpu.dimension_semantics<core_parallel>, #tpu.dimension_semantics<subcore_parallel>], iteration_bounds = array<i64: 2, 16>, scalar_prefetch = 0 : i64, scratch_operands = 5 : i64, tpu.core_type = #tpu.core_type<sc_vector_subcore>, window_params = [{transform_indices = #map}, {transform_indices = #map1}, {transform_indices = #map}, {transform_indices = #map1}]} {
    %mul3A = arith.constant 16 : i32
    %mul3A_0 = arith.muli %arg0, %mul3A : i32
    %add3A = arith.addi %mul3A_0, %arg1 : i32
    %broadcast_in_dim3A = arith.constant 0.000000e+00 : f32
    %broadcast_in_dim3A_1 = vector.broadcast %broadcast_in_dim3A : f32 to vector<16xf32>
    %scan3A = arith.constant 0 : i32
    %scan3A_2 = arith.constant 0 : i32
    %scan3A_3 = arith.constant 80 : i32
    %scan3A_4 = arith.addi %scan3A_2, %scan3A_3 : i32
    %scan3A_5 = arith.constant 1 : i32
    scf.for %scan3A_36 = %scan3A_2 to %scan3A_4 step %scan3A_5  : i32 {
      %scan3A_37 = arith.constant 0 : i32
      %scan3A_38 = arith.constant 8 : i32
      %scan3A_39 = arith.addi %scan3A_37, %scan3A_38 : i32
      %scan3A_40 = arith.constant 1 : i32
      scf.for %scan3A_42 = %scan3A_37 to %scan3A_39 step %scan3A_40  : i32 {
        %mul3A_43 = arith.constant 16 : i32
        %mul3A_44 = arith.muli %scan3A_42, %mul3A_43 : i32
        %swap3A = arith.index_cast %scan3A_36 : i32 to index
        %swap3A_45 = arith.index_cast %mul3A_44 : i32 to index
        %swap3A_46 = tpu.vector_load %arg8[%swap3A, %swap3A_45] {strides = array<i32>} : memref<80x128xf32, #tpu.memory_space<vmem>>, vector<1x16xf32>,
        %swap3A_47 = vector.shape_cast %swap3A_46 : vector<1x16xf32> to vector<16xf32>
        %swap3A_48 = vector.shape_cast %broadcast_in_dim3A_1 : vector<16xf32> to vector<1x16xf32>
        tpu.vector_store %arg8[%swap3A, %swap3A_45], %swap3A_48 {strides = array<i32>} : memref<80x128xf32, #tpu.memory_space<vmem>>, vector<1x16xf32>,
      }
      %scan3A_41 = arith.constant 8 : i32
    }
    %scan3A_6 = arith.constant 80 : i32
    %mul3A_7 = arith.constant 632 : i32
    %mul3A_8 = arith.muli %arg1, %mul3A_7 : i32
    %add3A_9 = arith.constant 0 : i32
    %add3A_10 = arith.addi %mul3A_8, %add3A_9 : i32
    "tpu.region"() ({
      %run_scoped3A = tpu.sem_alloc : memref<!tpu.dma_semaphore, #tpu.memory_space<semaphore_mem>>
      %dma_start3A = arith.constant 0 : i32
      %dma_start3A_36 = tpu.memref_slice %arg9[%add3A_10, %dma_start3A] : memref<10112x128xf32, #tpu.memory_space<vmem_shared>> -> memref<80x128xf32, #tpu.memory_space<vmem_shared>>
      %dma_start3A_37 = arith.constant 0 : i32
      %dma_start3A_38 = tpu.memref_slice %arg9[%add3A_10, %dma_start3A_37] : memref<10112x128xf32, #tpu.memory_space<vmem_shared>> -> memref<80x128xf32, #tpu.memory_space<vmem_shared>>
      tpu.enqueue_dma source(%arg8 : memref<80x128xf32, #tpu.memory_space<vmem>>) target(%dma_start3A_38 : memref<80x128xf32, #tpu.memory_space<vmem_shared>>) target_semaphore(%run_scoped3A : memref<!tpu.dma_semaphore, #tpu.memory_space<semaphore_mem>>)
      %dma_wait3A = arith.constant 0 : i32
      %dma_wait3A_39 = tpu.memref_slice %arg9[%add3A_10, %dma_wait3A] : memref<10112x128xf32, #tpu.memory_space<vmem_shared>> -> memref<80x128xf32, #tpu.memory_space<vmem_shared>>
      %dma_wait3A_40 = arith.constant 0 : i32
      %dma_wait3A_41 = tpu.memref_slice %arg9[%add3A_10, %dma_wait3A_40] : memref<10112x128xf32, #tpu.memory_space<vmem_shared>> -> memref<80x128xf32, #tpu.memory_space<vmem_shared>>
      tpu.wait_dma2 semaphore(%run_scoped3A : memref<!tpu.dma_semaphore, #tpu.memory_space<semaphore_mem>>) src(%arg8 : memref<80x128xf32, #tpu.memory_space<vmem>>) dst(%dma_wait3A_41 : memref<80x128xf32, #tpu.memory_space<vmem_shared>>)
      tpu.yield
    }) : () -> ()
    %add3A_11 = arith.constant 80 : i32
    %add3A_12 = arith.addi %mul3A_8, %add3A_11 : i32
    "tpu.region"() ({
      %run_scoped3A = tpu.sem_alloc : memref<!tpu.dma_semaphore, #tpu.memory_space<semaphore_mem>>
      %dma_start3A = arith.constant 0 : i32
      %dma_start3A_36 = tpu.memref_slice %arg9[%add3A_12, %dma_start3A] : memref<10112x128xf32, #tpu.memory_space<vmem_shared>> -> memref<80x128xf32, #tpu.memory_space<vmem_shared>>
      %dma_start3A_37 = arith.constant 0 : i32
      %dma_start3A_38 = tpu.memref_slice %arg9[%add3A_12, %dma_start3A_37] : memref<10112x128xf32, #tpu.memory_space<vmem_shared>> -> memref<80x128xf32, #tpu.memory_space<vmem_shared>>
      tpu.enqueue_dma source(%arg8 : memref<80x128xf32, #tpu.memory_space<vmem>>) target(%dma_start3A_38 : memref<80x128xf32, #tpu.memory_space<vmem_shared>>) target_semaphore(%run_scoped3A : memref<!tpu.dma_semaphore, #tpu.memory_space<semaphore_mem>>)
      %dma_wait3A = arith.constant 0 : i32
      %dma_wait3A_39 = tpu.memref_slice %arg9[%add3A_12, %dma_wait3A] : memref<10112x128xf32, #tpu.memory_space<vmem_shared>> -> memref<80x128xf32, #tpu.memory_space<vmem_shared>>
      %dma_wait3A_40 = arith.constant 0 : i32
      %dma_wait3A_41 = tpu.memref_slice %arg9[%add3A_12, %dma_wait3A_40] : memref<10112x128xf32, #tpu.memory_space<vmem_shared>> -> memref<80x128xf32, #tpu.memory_space<vmem_shared>>
      tpu.wait_dma2 semaphore(%run_scoped3A : memref<!tpu.dma_semaphore, #tpu.memory_space<semaphore_mem>>) src(%arg8 : memref<80x128xf32, #tpu.memory_space<vmem>>) dst(%dma_wait3A_41 : memref<80x128xf32, #tpu.memory_space<vmem_shared>>)
      tpu.yield
    }) : () -> ()
    %add3A_13 = arith.constant 160 : i32
    %add3A_14 = arith.addi %mul3A_8, %add3A_13 : i32
    "tpu.region"() ({
      %run_scoped3A = tpu.sem_alloc : memref<!tpu.dma_semaphore, #tpu.memory_space<semaphore_mem>>
      %dma_start3A = arith.constant 0 : i32
      %dma_start3A_36 = tpu.memref_slice %arg9[%add3A_14, %dma_start3A] : memref<10112x128xf32, #tpu.memory_space<vmem_shared>> -> memref<80x128xf32, #tpu.memory_space<vmem_shared>>
      %dma_start3A_37 = arith.constant 0 : i32
      %dma_start3A_38 = tpu.memref_slice %arg9[%add3A_14, %dma_start3A_37] : memref<10112x128xf32, #tpu.memory_space<vmem_shared>> -> memref<80x128xf32, #tpu.memory_space<vmem_shared>>
      tpu.enqueue_dma source(%arg8 : memref<80x128xf32, #tpu.memory_space<vmem>>) target(%dma_start3A_38 : memref<80x128xf32, #tpu.memory_space<vmem_shared>>) target_semaphore(%run_scoped3A : memref<!tpu.dma_semaphore, #tpu.memory_space<semaphore_mem>>)
      %dma_wait3A = arith.constant 0 : i32
      %dma_wait3A_39 = tpu.memref_slice %arg9[%add3A_14, %dma_wait3A] : memref<10112x128xf32, #tpu.memory_space<vmem_shared>> -> memref<80x128xf32, #tpu.memory_space<vmem_shared>>
      %dma_wait3A_40 = arith.constant 0 : i32
      %dma_wait3A_41 = tpu.memref_slice %arg9[%add3A_14, %dma_wait3A_40] : memref<10112x128xf32, #tpu.memory_space<vmem_shared>> -> memref<80x128xf32, #tpu.memory_space<vmem_shared>>
      tpu.wait_dma2 semaphore(%run_scoped3A : memref<!tpu.dma_semaphore, #tpu.memory_space<semaphore_mem>>) src(%arg8 : memref<80x128xf32, #tpu.memory_space<vmem>>) dst(%dma_wait3A_41 : memref<80x128xf32, #tpu.memory_space<vmem_shared>>)
      tpu.yield
    }) : () -> ()
    %add3A_15 = arith.constant 240 : i32
    %add3A_16 = arith.addi %mul3A_8, %add3A_15 : i32
    "tpu.region"() ({
      %run_scoped3A = tpu.sem_alloc : memref<!tpu.dma_semaphore, #tpu.memory_space<semaphore_mem>>
      %dma_start3A = arith.constant 0 : i32
      %dma_start3A_36 = tpu.memref_slice %arg9[%add3A_16, %dma_start3A] : memref<10112x128xf32, #tpu.memory_space<vmem_shared>> -> memref<80x128xf32, #tpu.memory_space<vmem_shared>>
      %dma_start3A_37 = arith.constant 0 : i32
      %dma_start3A_38 = tpu.memref_slice %arg9[%add3A_16, %dma_start3A_37] : memref<10112x128xf32, #tpu.memory_space<vmem_shared>> -> memref<80x128xf32, #tpu.memory_space<vmem_shared>>
      tpu.enqueue_dma source(%arg8 : memref<80x128xf32, #tpu.memory_space<vmem>>) target(%dma_start3A_38 : memref<80x128xf32, #tpu.memory_space<vmem_shared>>) target_semaphore(%run_scoped3A : memref<!tpu.dma_semaphore, #tpu.memory_space<semaphore_mem>>)
      %dma_wait3A = arith.constant 0 : i32
      %dma_wait3A_39 = tpu.memref_slice %arg9[%add3A_16, %dma_wait3A] : memref<10112x128xf32, #tpu.memory_space<vmem_shared>> -> memref<80x128xf32, #tpu.memory_space<vmem_shared>>
      %dma_wait3A_40 = arith.constant 0 : i32
      %dma_wait3A_41 = tpu.memref_slice %arg9[%add3A_16, %dma_wait3A_40] : memref<10112x128xf32, #tpu.memory_space<vmem_shared>> -> memref<80x128xf32, #tpu.memory_space<vmem_shared>>
      tpu.wait_dma2 semaphore(%run_scoped3A : memref<!tpu.dma_semaphore, #tpu.memory_space<semaphore_mem>>) src(%arg8 : memref<80x128xf32, #tpu.memory_space<vmem>>) dst(%dma_wait3A_41 : memref<80x128xf32, #tpu.memory_space<vmem_shared>>)
      tpu.yield
    }) : () -> ()
    %add3A_17 = arith.constant 320 : i32
    %add3A_18 = arith.addi %mul3A_8, %add3A_17 : i32
    "tpu.region"() ({
      %run_scoped3A = tpu.sem_alloc : memref<!tpu.dma_semaphore, #tpu.memory_space<semaphore_mem>>
      %dma_start3A = arith.constant 0 : i32
      %dma_start3A_36 = tpu.memref_slice %arg9[%add3A_18, %dma_start3A] : memref<10112x128xf32, #tpu.memory_space<vmem_shared>> -> memref<80x128xf32, #tpu.memory_space<vmem_shared>>
      %dma_start3A_37 = arith.constant 0 : i32
      %dma_start3A_38 = tpu.memref_slice %arg9[%add3A_18, %dma_start3A_37] : memref<10112x128xf32, #tpu.memory_space<vmem_shared>> -> memref<80x128xf32, #tpu.memory_space<vmem_shared>>
      tpu.enqueue_dma source(%arg8 : memref<80x128xf32, #tpu.memory_space<vmem>>) target(%dma_start3A_38 : memref<80x128xf32, #tpu.memory_space<vmem_shared>>) target_semaphore(%run_scoped3A : memref<!tpu.dma_semaphore, #tpu.memory_space<semaphore_mem>>)
      %dma_wait3A = arith.constant 0 : i32
      %dma_wait3A_39 = tpu.memref_slice %arg9[%add3A_18, %dma_wait3A] : memref<10112x128xf32, #tpu.memory_space<vmem_shared>> -> memref<80x128xf32, #tpu.memory_space<vmem_shared>>
      %dma_wait3A_40 = arith.constant 0 : i32
      %dma_wait3A_41 = tpu.memref_slice %arg9[%add3A_18, %dma_wait3A_40] : memref<10112x128xf32, #tpu.memory_space<vmem_shared>> -> memref<80x128xf32, #tpu.memory_space<vmem_shared>>
      tpu.wait_dma2 semaphore(%run_scoped3A : memref<!tpu.dma_semaphore, #tpu.memory_space<semaphore_mem>>) src(%arg8 : memref<80x128xf32, #tpu.memory_space<vmem>>) dst(%dma_wait3A_41 : memref<80x128xf32, #tpu.memory_space<vmem_shared>>)
      tpu.yield
    }) : () -> ()
    %add3A_19 = arith.constant 400 : i32
    %add3A_20 = arith.addi %mul3A_8, %add3A_19 : i32
    "tpu.region"() ({
      %run_scoped3A = tpu.sem_alloc : memref<!tpu.dma_semaphore, #tpu.memory_space<semaphore_mem>>
      %dma_start3A = arith.constant 0 : i32
      %dma_start3A_36 = tpu.memref_slice %arg9[%add3A_20, %dma_start3A] : memref<10112x128xf32, #tpu.memory_space<vmem_shared>> -> memref<80x128xf32, #tpu.memory_space<vmem_shared>>
      %dma_start3A_37 = arith.constant 0 : i32
      %dma_start3A_38 = tpu.memref_slice %arg9[%add3A_20, %dma_start3A_37] : memref<10112x128xf32, #tpu.memory_space<vmem_shared>> -> memref<80x128xf32, #tpu.memory_space<vmem_shared>>
      tpu.enqueue_dma source(%arg8 : memref<80x128xf32, #tpu.memory_space<vmem>>) target(%dma_start3A_38 : memref<80x128xf32, #tpu.memory_space<vmem_shared>>) target_semaphore(%run_scoped3A : memref<!tpu.dma_semaphore, #tpu.memory_space<semaphore_mem>>)
      %dma_wait3A = arith.constant 0 : i32
      %dma_wait3A_39 = tpu.memref_slice %arg9[%add3A_20, %dma_wait3A] : memref<10112x128xf32, #tpu.memory_space<vmem_shared>> -> memref<80x128xf32, #tpu.memory_space<vmem_shared>>
      %dma_wait3A_40 = arith.constant 0 : i32
      %dma_wait3A_41 = tpu.memref_slice %arg9[%add3A_20, %dma_wait3A_40] : memref<10112x128xf32, #tpu.memory_space<vmem_shared>> -> memref<80x128xf32, #tpu.memory_space<vmem_shared>>
      tpu.wait_dma2 semaphore(%run_scoped3A : memref<!tpu.dma_semaphore, #tpu.memory_space<semaphore_mem>>) src(%arg8 : memref<80x128xf32, #tpu.memory_space<vmem>>) dst(%dma_wait3A_41 : memref<80x128xf32, #tpu.memory_space<vmem_shared>>)
      tpu.yield
    }) : () -> ()
    %add3A_21 = arith.constant 480 : i32
    %add3A_22 = arith.addi %mul3A_8, %add3A_21 : i32
    "tpu.region"() ({
      %run_scoped3A = tpu.sem_alloc : memref<!tpu.dma_semaphore, #tpu.memory_space<semaphore_mem>>
      %dma_start3A = arith.constant 0 : i32
      %dma_start3A_36 = tpu.memref_slice %arg9[%add3A_22, %dma_start3A] : memref<10112x128xf32, #tpu.memory_space<vmem_shared>> -> memref<80x128xf32, #tpu.memory_space<vmem_shared>>
      %dma_start3A_37 = arith.constant 0 : i32
      %dma_start3A_38 = tpu.memref_slice %arg9[%add3A_22, %dma_start3A_37] : memref<10112x128xf32, #tpu.memory_space<vmem_shared>> -> memref<80x128xf32, #tpu.memory_space<vmem_shared>>
      tpu.enqueue_dma source(%arg8 : memref<80x128xf32, #tpu.memory_space<vmem>>) target(%dma_start3A_38 : memref<80x128xf32, #tpu.memory_space<vmem_shared>>) target_semaphore(%run_scoped3A : memref<!tpu.dma_semaphore, #tpu.memory_space<semaphore_mem>>)
      %dma_wait3A = arith.constant 0 : i32
      %dma_wait3A_39 = tpu.memref_slice %arg9[%add3A_22, %dma_wait3A] : memref<10112x128xf32, #tpu.memory_space<vmem_shared>> -> memref<80x128xf32, #tpu.memory_space<vmem_shared>>
      %dma_wait3A_40 = arith.constant 0 : i32
      %dma_wait3A_41 = tpu.memref_slice %arg9[%add3A_22, %dma_wait3A_40] : memref<10112x128xf32, #tpu.memory_space<vmem_shared>> -> memref<80x128xf32, #tpu.memory_space<vmem_shared>>
      tpu.wait_dma2 semaphore(%run_scoped3A : memref<!tpu.dma_semaphore, #tpu.memory_space<semaphore_mem>>) src(%arg8 : memref<80x128xf32, #tpu.memory_space<vmem>>) dst(%dma_wait3A_41 : memref<80x128xf32, #tpu.memory_space<vmem_shared>>)
      tpu.yield
    }) : () -> ()
    %add3A_23 = arith.constant 560 : i32
    %add3A_24 = arith.addi %mul3A_8, %add3A_23 : i32
    "tpu.region"() ({
      %run_scoped3A = tpu.sem_alloc : memref<!tpu.dma_semaphore, #tpu.memory_space<semaphore_mem>>
      %dma_start3A = arith.constant 0 : i32
      %dma_start3A_36 = arith.constant 0 : i32
      %dma_start3A_37 = tpu.memref_slice %arg8[%dma_start3A, %dma_start3A_36] : memref<80x128xf32, #tpu.memory_space<vmem>> -> memref<72x128xf32, #tpu.memory_space<vmem>>
      %dma_start3A_38 = arith.constant 0 : i32
      %dma_start3A_39 = tpu.memref_slice %arg9[%add3A_24, %dma_start3A_38] : memref<10112x128xf32, #tpu.memory_space<vmem_shared>> -> memref<72x128xf32, #tpu.memory_space<vmem_shared>>
      %dma_start3A_40 = arith.constant 0 : i32
      %dma_start3A_41 = tpu.memref_slice %arg9[%add3A_24, %dma_start3A_40] : memref<10112x128xf32, #tpu.memory_space<vmem_shared>> -> memref<72x128xf32, #tpu.memory_space<vmem_shared>>
      %dma_start3A_42 = arith.constant 0 : i32
      %dma_start3A_43 = arith.constant 0 : i32
      %dma_start3A_44 = tpu.memref_slice %arg8[%dma_start3A_42, %dma_start3A_43] : memref<80x128xf32, #tpu.memory_space<vmem>> -> memref<72x128xf32, #tpu.memory_space<vmem>>
      tpu.enqueue_dma source(%dma_start3A_44 : memref<72x128xf32, #tpu.memory_space<vmem>>) target(%dma_start3A_41 : memref<72x128xf32, #tpu.memory_space<vmem_shared>>) target_semaphore(%run_scoped3A : memref<!tpu.dma_semaphore, #tpu.memory_space<semaphore_mem>>)
      %dma_wait3A = arith.constant 0 : i32
      %dma_wait3A_45 = arith.constant 0 : i32
      %dma_wait3A_46 = tpu.memref_slice %arg8[%dma_wait3A, %dma_wait3A_45] : memref<80x128xf32, #tpu.memory_space<vmem>> -> memref<72x128xf32, #tpu.memory_space<vmem>>
      %dma_wait3A_47 = arith.constant 0 : i32
      %dma_wait3A_48 = tpu.memref_slice %arg9[%add3A_24, %dma_wait3A_47] : memref<10112x128xf32, #tpu.memory_space<vmem_shared>> -> memref<72x128xf32, #tpu.memory_space<vmem_shared>>
      %dma_wait3A_49 = arith.constant 0 : i32
      %dma_wait3A_50 = tpu.memref_slice %arg9[%add3A_24, %dma_wait3A_49] : memref<10112x128xf32, #tpu.memory_space<vmem_shared>> -> memref<72x128xf32, #tpu.memory_space<vmem_shared>>
      %dma_wait3A_51 = arith.constant 0 : i32
      %dma_wait3A_52 = arith.constant 0 : i32
      %dma_wait3A_53 = tpu.memref_slice %arg8[%dma_wait3A_51, %dma_wait3A_52] : memref<80x128xf32, #tpu.memory_space<vmem>> -> memref<72x128xf32, #tpu.memory_space<vmem>>
      tpu.wait_dma2 semaphore(%run_scoped3A : memref<!tpu.dma_semaphore, #tpu.memory_space<semaphore_mem>>) src(%dma_wait3A_53 : memref<72x128xf32, #tpu.memory_space<vmem>>) dst(%dma_wait3A_50 : memref<72x128xf32, #tpu.memory_space<vmem_shared>>)
      tpu.yield
    }) : () -> ()
    "tpu.region"() ({
      %run_scoped3A = tpu.sem_alloc : memref<!tpu.dma_semaphore, #tpu.memory_space<semaphore_mem>>
      %dma_start3A = arith.constant 0 : i32
      %dma_start3A_36 = tpu.memref_slice %arg2[%add3A, %dma_start3A] : memref<32x10000xi32, #tpu.memory_space<hbm>> -> memref<1x10000xi32, #tpu.memory_space<hbm>>
      %dma_start3A_37 = tpu.memref_squeeze %dma_start3A_36 : memref<1x10000xi32, #tpu.memory_space<hbm>> -> memref<10000xi32, #tpu.memory_space<hbm>>
      %dma_start3A_38 = arith.constant 0 : i32
      %dma_start3A_39 = tpu.memref_slice %arg2[%add3A, %dma_start3A_38] : memref<32x10000xi32, #tpu.memory_space<hbm>> -> memref<1x10000xi32, #tpu.memory_space<hbm>>
      %dma_start3A_40 = tpu.memref_squeeze %dma_start3A_39 : memref<1x10000xi32, #tpu.memory_space<hbm>> -> memref<10000xi32, #tpu.memory_space<hbm>>
      tpu.enqueue_dma source(%dma_start3A_40 : memref<10000xi32, #tpu.memory_space<hbm>>) target(%arg6 : memref<10000xi32, #tpu.memory_space<vmem>>) target_semaphore(%run_scoped3A : memref<!tpu.dma_semaphore, #tpu.memory_space<semaphore_mem>>)
      %dma_wait3A = arith.constant 0 : i32
      %dma_wait3A_41 = tpu.memref_slice %arg2[%add3A, %dma_wait3A] : memref<32x10000xi32, #tpu.memory_space<hbm>> -> memref<1x10000xi32, #tpu.memory_space<hbm>>
      %dma_wait3A_42 = tpu.memref_squeeze %dma_wait3A_41 : memref<1x10000xi32, #tpu.memory_space<hbm>> -> memref<10000xi32, #tpu.memory_space<hbm>>
      %dma_wait3A_43 = arith.constant 0 : i32
      %dma_wait3A_44 = tpu.memref_slice %arg2[%add3A, %dma_wait3A_43] : memref<32x10000xi32, #tpu.memory_space<hbm>> -> memref<1x10000xi32, #tpu.memory_space<hbm>>
      %dma_wait3A_45 = tpu.memref_squeeze %dma_wait3A_44 : memref<1x10000xi32, #tpu.memory_space<hbm>> -> memref<10000xi32, #tpu.memory_space<hbm>>
      tpu.wait_dma2 semaphore(%run_scoped3A : memref<!tpu.dma_semaphore, #tpu.memory_space<semaphore_mem>>) src(%dma_wait3A_45 : memref<10000xi32, #tpu.memory_space<hbm>>) dst(%arg6 : memref<10000xi32, #tpu.memory_space<vmem>>)
      tpu.yield
    }) : () -> ()
    "tpu.region"() ({
      %run_scoped3A = tpu.sem_alloc : memref<!tpu.dma_semaphore, #tpu.memory_space<semaphore_mem>>
      %dma_start3A = arith.constant 0 : i32
      %dma_start3A_36 = arith.constant 0 : i32
      %dma_start3A_37 = tpu.memref_slice %arg3[%add3A, %dma_start3A, %dma_start3A_36] : memref<32x125x80xi32, #tpu.memory_space<hbm>> -> memref<1x125x80xi32, #tpu.memory_space<hbm>>
      %dma_start3A_38 = tpu.memref_squeeze %dma_start3A_37 : memref<1x125x80xi32, #tpu.memory_space<hbm>> -> memref<125x80xi32, #tpu.memory_space<hbm>>
      %dma_start3A_39 = arith.constant 0 : i32
      %dma_start3A_40 = arith.constant 0 : i32
      %dma_start3A_41 = tpu.memref_slice %arg3[%add3A, %dma_start3A_39, %dma_start3A_40] : memref<32x125x80xi32, #tpu.memory_space<hbm>> -> memref<1x125x80xi32, #tpu.memory_space<hbm>>
      %dma_start3A_42 = tpu.memref_squeeze %dma_start3A_41 : memref<1x125x80xi32, #tpu.memory_space<hbm>> -> memref<125x80xi32, #tpu.memory_space<hbm>>
      tpu.enqueue_dma source(%dma_start3A_42 : memref<125x80xi32, #tpu.memory_space<hbm>>) target(%arg7 : memref<125x80xi32, #tpu.memory_space<vmem>>) target_semaphore(%run_scoped3A : memref<!tpu.dma_semaphore, #tpu.memory_space<semaphore_mem>>)
      %dma_wait3A = arith.constant 0 : i32
      %dma_wait3A_43 = arith.constant 0 : i32
      %dma_wait3A_44 = tpu.memref_slice %arg3[%add3A, %dma_wait3A, %dma_wait3A_43] : memref<32x125x80xi32, #tpu.memory_space<hbm>> -> memref<1x125x80xi32, #tpu.memory_space<hbm>>
      %dma_wait3A_45 = tpu.memref_squeeze %dma_wait3A_44 : memref<1x125x80xi32, #tpu.memory_space<hbm>> -> memref<125x80xi32, #tpu.memory_space<hbm>>
      %dma_wait3A_46 = arith.constant 0 : i32
      %dma_wait3A_47 = arith.constant 0 : i32
      %dma_wait3A_48 = tpu.memref_slice %arg3[%add3A, %dma_wait3A_46, %dma_wait3A_47] : memref<32x125x80xi32, #tpu.memory_space<hbm>> -> memref<1x125x80xi32, #tpu.memory_space<hbm>>
      %dma_wait3A_49 = tpu.memref_squeeze %dma_wait3A_48 : memref<1x125x80xi32, #tpu.memory_space<hbm>> -> memref<125x80xi32, #tpu.memory_space<hbm>>
      tpu.wait_dma2 semaphore(%run_scoped3A : memref<!tpu.dma_semaphore, #tpu.memory_space<semaphore_mem>>) src(%dma_wait3A_49 : memref<125x80xi32, #tpu.memory_space<hbm>>) dst(%arg7 : memref<125x80xi32, #tpu.memory_space<vmem>>)
      tpu.yield
    }) : () -> ()
    %barrier3A = arith.constant 0 : index
    tpu.barrier barrier_id(%barrier3A)
    %scan3A_25 = arith.constant 0 : i32
    %scan3A_26 = arith.constant 0 : i32
    %scan3A_27 = arith.constant 125 : i32
    %scan3A_28 = arith.addi %scan3A_26, %scan3A_27 : i32
    %scan3A_29 = arith.constant 1 : i32
    scf.for %scan3A_36 = %scan3A_26 to %scan3A_28 step %scan3A_29  : i32 {
      %mul3A_37 = arith.constant 80 : i32
      %mul3A_38 = arith.muli %scan3A_36, %mul3A_37 : i32
      %dma_start3A = tpu.memref_slice %arg6[%mul3A_38] : memref<10000xi32, #tpu.memory_space<vmem>> -> memref<80xi32, #tpu.memory_space<vmem>>
      %dma_start3A_39 = arith.constant 0 : i32
      %dma_start3A_40 = arith.constant 0 : i32
      %dma_start3A_41 = tpu.memref_slice %arg4[%dma_start3A_39, %dma_start3A_40] : memref<10000x128xf32, #tpu.memory_space<hbm>> -> memref<10000x128xf32, #tpu.memory_space<hbm>>
      tpu.enqueue_indirect_dma source(%dma_start3A_41 : memref<10000x128xf32, #tpu.memory_space<hbm>>) target(%arg8 : memref<80x128xf32, #tpu.memory_space<vmem>>) offsets(%dma_start3A : memref<80xi32, #tpu.memory_space<vmem>>) semaphore(%arg10 : memref<!tpu.dma_semaphore, #tpu.memory_space<semaphore_mem>>)
      %dma_wait3A = tpu.memref_slice %arg6[%mul3A_38] : memref<10000xi32, #tpu.memory_space<vmem>> -> memref<80xi32, #tpu.memory_space<vmem>>
      %dma_wait3A_42 = arith.constant 0 : i32
      %dma_wait3A_43 = arith.constant 0 : i32
      %dma_wait3A_44 = tpu.memref_slice %arg4[%dma_wait3A_42, %dma_wait3A_43] : memref<10000x128xf32, #tpu.memory_space<hbm>> -> memref<10000x128xf32, #tpu.memory_space<hbm>>
      tpu.wait_indirect_dma semaphore(%arg10 : memref<!tpu.dma_semaphore, #tpu.memory_space<semaphore_mem>>) src(%dma_wait3A_44 : memref<10000x128xf32, #tpu.memory_space<hbm>>) dst(%arg8 : memref<80x128xf32, #tpu.memory_space<vmem>>)
      "tpu.region"() ({
        %run_scoped3A = tpu.sem_alloc : memref<!tpu.dma_semaphore, #tpu.memory_space<semaphore_mem>>
        %dma_start3A_45 = arith.constant 0 : i32
        %dma_start3A_46 = tpu.memref_slice %arg7[%scan3A_36, %dma_start3A_45] : memref<125x80xi32, #tpu.memory_space<vmem>> -> memref<1x80xi32, #tpu.memory_space<vmem>>
        %dma_start3A_47 = tpu.memref_squeeze %dma_start3A_46 : memref<1x80xi32, #tpu.memory_space<vmem>> -> memref<80xi32, #tpu.memory_space<vmem>>
        %dma_start3A_48 = arith.constant 0 : i32
        %dma_start3A_49 = arith.constant 0 : i32
        %dma_start3A_50 = tpu.memref_slice %arg9[%dma_start3A_48, %dma_start3A_49] : memref<10112x128xf32, #tpu.memory_space<vmem_shared>> -> memref<10112x128xf32, #tpu.memory_space<vmem_shared>>
        tpu.enqueue_indirect_dma source(%arg8 : memref<80x128xf32, #tpu.memory_space<vmem>>) target(%dma_start3A_50 : memref<10112x128xf32, #tpu.memory_space<vmem_shared>>) offsets(%dma_start3A_47 : memref<80xi32, #tpu.memory_space<vmem>>) semaphore(%run_scoped3A : memref<!tpu.dma_semaphore, #tpu.memory_space<semaphore_mem>>) {add = true}
        %dma_wait3A_51 = arith.constant 0 : i32
        %dma_wait3A_52 = tpu.memref_slice %arg7[%scan3A_36, %dma_wait3A_51] : memref<125x80xi32, #tpu.memory_space<vmem>> -> memref<1x80xi32, #tpu.memory_space<vmem>>
        %dma_wait3A_53 = tpu.memref_squeeze %dma_wait3A_52 : memref<1x80xi32, #tpu.memory_space<vmem>> -> memref<80xi32, #tpu.memory_space<vmem>>
        %dma_wait3A_54 = arith.constant 0 : i32
        %dma_wait3A_55 = arith.constant 0 : i32
        %dma_wait3A_56 = tpu.memref_slice %arg9[%dma_wait3A_54, %dma_wait3A_55] : memref<10112x128xf32, #tpu.memory_space<vmem_shared>> -> memref<10112x128xf32, #tpu.memory_space<vmem_shared>>
        tpu.wait_indirect_dma semaphore(%run_scoped3A : memref<!tpu.dma_semaphore, #tpu.memory_space<semaphore_mem>>) src(%arg8 : memref<80x128xf32, #tpu.memory_space<vmem>>) dst(%dma_wait3A_56 : memref<10112x128xf32, #tpu.memory_space<vmem_shared>>)
        tpu.yield
      }) : () -> ()
    }
    %scan3A_30 = arith.constant 125 : i32
    %barrier3A_31 = arith.constant 0 : index
    tpu.barrier barrier_id(%barrier3A_31)
    %mul3A_32 = arith.constant 632 : i32
    %mul3A_33 = arith.muli %arg1, %mul3A_32 : i32
    %mul3A_34 = arith.constant 632 : i32
    %mul3A_35 = arith.muli %arg1, %mul3A_34 : i32
    "tpu.region"() ({
      %run_scoped3A = tpu.sem_alloc : memref<!tpu.dma_semaphore, #tpu.memory_space<semaphore_mem>>
      %dma_start3A = arith.constant 0 : i32
      %dma_start3A_36 = tpu.memref_slice %arg5[%arg0, %mul3A_35, %dma_start3A] : memref<2x10112x128xf32, #tpu.memory_space<hbm>> -> memref<1x632x128xf32, #tpu.memory_space<hbm>>
      %dma_start3A_37 = tpu.memref_squeeze %dma_start3A_36 : memref<1x632x128xf32, #tpu.memory_space<hbm>> -> memref<632x128xf32, #tpu.memory_space<hbm>>
      %dma_start3A_38 = arith.constant 0 : i32
      %dma_start3A_39 = tpu.memref_slice %arg9[%mul3A_33, %dma_start3A_38] : memref<10112x128xf32, #tpu.memory_space<vmem_shared>> -> memref<632x128xf32, #tpu.memory_space<vmem_shared>>
      tpu.enqueue_dma source(%dma_start3A_39 : memref<632x128xf32, #tpu.memory_space<vmem_shared>>) target(%dma_start3A_37 : memref<632x128xf32, #tpu.memory_space<hbm>>) target_semaphore(%run_scoped3A : memref<!tpu.dma_semaphore, #tpu.memory_space<semaphore_mem>>)
      %dma_wait3A = arith.constant 0 : i32
      %dma_wait3A_40 = tpu.memref_slice %arg5[%arg0, %mul3A_35, %dma_wait3A] : memref<2x10112x128xf32, #tpu.memory_space<hbm>> -> memref<1x632x128xf32, #tpu.memory_space<hbm>>
      %dma_wait3A_41 = tpu.memref_squeeze %dma_wait3A_40 : memref<1x632x128xf32, #tpu.memory_space<hbm>> -> memref<632x128xf32, #tpu.memory_space<hbm>>
      %dma_wait3A_42 = arith.constant 0 : i32
      %dma_wait3A_43 = tpu.memref_slice %arg9[%mul3A_33, %dma_wait3A_42] : memref<10112x128xf32, #tpu.memory_space<vmem_shared>> -> memref<632x128xf32, #tpu.memory_space<vmem_shared>>
      tpu.wait_dma2 semaphore(%run_scoped3A : memref<!tpu.dma_semaphore, #tpu.memory_space<semaphore_mem>>) src(%dma_wait3A_43 : memref<632x128xf32, #tpu.memory_space<vmem_shared>>) dst(%dma_wait3A_41 : memref<632x128xf32, #tpu.memory_space<hbm>>)
      tpu.yield
    }) : () -> ()
    return
  }
}

#map = affine_map<(d0, d1) -> (0, 0)>
#map1 = affine_map<(d0, d1) -> (0, 0, 0)>
module attributes {stable_mosaic.version = 14 : i64} {
  func.func @sc_segsum(%arg0: i32, %arg1: i32, %arg2: memref<32x10000xi32, #tpu.memory_space<hbm>>, %arg3: memref<32x125x80xi32, #tpu.memory_space<hbm>>, %arg4: memref<10000x128xf32, #tpu.memory_space<hbm>>, %arg5: memref<2x10112x128xf32, #tpu.memory_space<hbm>>, %arg6: memref<10000xi32, #tpu.memory_space<vmem>>, %arg7: memref<125x80xi32, #tpu.memory_space<vmem>>, %arg8: memref<80x128xf32, #tpu.memory_space<vmem>>, %arg9: memref<10112x128xf32, #tpu.memory_space<vmem_shared>>, %arg10: memref<!tpu.dma_semaphore, #tpu.memory_space<semaphore_mem>>) attributes {dimension_semantics = [#tpu.dimension_semantics<core_parallel>, #tpu.dimension_semantics<subcore_parallel>], iteration_bounds = array<i64: 2, 16>, scalar_prefetch = 0 : i64, scratch_operands = 5 : i64, tpu.core_type = #tpu.core_type<sc_vector_subcore>, window_params = [{transform_indices = #map}, {transform_indices = #map1}, {transform_indices = #map}, {transform_indices = #map1}]} {
    %mul3A = arith.constant 16 : i32
    %mul3A_0 = arith.muli %arg0, %mul3A : i32
    %add3A = arith.addi %mul3A_0, %arg1 : i32
    %broadcast_in_dim3A = arith.constant 0.000000e+00 : f32
    %broadcast_in_dim3A_1 = vector.broadcast %broadcast_in_dim3A : f32 to vector<16xf32>
    %scan3A = arith.constant 0 : i32
    %scan3A_2 = arith.constant 0 : i32
    %scan3A_3 = arith.constant 80 : i32
    %scan3A_4 = arith.addi %scan3A_2, %scan3A_3 : i32
    %scan3A_5 = arith.constant 1 : i32
    scf.for %scan3A_36 = %scan3A_2 to %scan3A_4 step %scan3A_5  : i32 {
      %scan3A_37 = arith.constant 0 : i32
      %scan3A_38 = arith.constant 8 : i32
      %scan3A_39 = arith.addi %scan3A_37, %scan3A_38 : i32
      %scan3A_40 = arith.constant 1 : i32
      scf.for %scan3A_42 = %scan3A_37 to %scan3A_39 step %scan3A_40  : i32 {
        %mul3A_43 = arith.constant 16 : i32
        %mul3A_44 = arith.muli %scan3A_42, %mul3A_43 : i32
        %swap3A = arith.index_cast %scan3A_36 : i32 to index
        %swap3A_45 = arith.index_cast %mul3A_44 : i32 to index
        %swap3A_46 = tpu.vector_load %arg8[%swap3A, %swap3A_45] {strides = array<i32>} : memref<80x128xf32, #tpu.memory_space<vmem>>, vector<1x16xf32>,
        %swap3A_47 = vector.shape_cast %swap3A_46 : vector<1x16xf32> to vector<16xf32>
        %swap3A_48 = vector.shape_cast %broadcast_in_dim3A_1 : vector<16xf32> to vector<1x16xf32>
        tpu.vector_store %arg8[%swap3A, %swap3A_45], %swap3A_48 {strides = array<i32>} : memref<80x128xf32, #tpu.memory_space<vmem>>, vector<1x16xf32>,
      }
      %scan3A_41 = arith.constant 8 : i32
    }
    %scan3A_6 = arith.constant 80 : i32
    %mul3A_7 = arith.constant 632 : i32
    %mul3A_8 = arith.muli %arg1, %mul3A_7 : i32
    %add3A_9 = arith.constant 0 : i32
    %add3A_10 = arith.addi %mul3A_8, %add3A_9 : i32
    "tpu.region"() ({
      %run_scoped3A = tpu.sem_alloc : memref<!tpu.dma_semaphore, #tpu.memory_space<semaphore_mem>>
      %dma_start3A = arith.constant 0 : i32
      %dma_start3A_36 = tpu.memref_slice %arg9[%add3A_10, %dma_start3A] : memref<10112x128xf32, #tpu.memory_space<vmem_shared>> -> memref<80x128xf32, #tpu.memory_space<vmem_shared>>
      %dma_start3A_37 = arith.constant 0 : i32
      %dma_start3A_38 = tpu.memref_slice %arg9[%add3A_10, %dma_start3A_37] : memref<10112x128xf32, #tpu.memory_space<vmem_shared>> -> memref<80x128xf32, #tpu.memory_space<vmem_shared>>
      tpu.enqueue_dma source(%arg8 : memref<80x128xf32, #tpu.memory_space<vmem>>) target(%dma_start3A_38 : memref<80x128xf32, #tpu.memory_space<vmem_shared>>) target_semaphore(%run_scoped3A : memref<!tpu.dma_semaphore, #tpu.memory_space<semaphore_mem>>)
      %dma_wait3A = arith.constant 0 : i32
      %dma_wait3A_39 = tpu.memref_slice %arg9[%add3A_10, %dma_wait3A] : memref<10112x128xf32, #tpu.memory_space<vmem_shared>> -> memref<80x128xf32, #tpu.memory_space<vmem_shared>>
      %dma_wait3A_40 = arith.constant 0 : i32
      %dma_wait3A_41 = tpu.memref_slice %arg9[%add3A_10, %dma_wait3A_40] : memref<10112x128xf32, #tpu.memory_space<vmem_shared>> -> memref<80x128xf32, #tpu.memory_space<vmem_shared>>
      tpu.wait_dma2 semaphore(%run_scoped3A : memref<!tpu.dma_semaphore, #tpu.memory_space<semaphore_mem>>) src(%arg8 : memref<80x128xf32, #tpu.memory_space<vmem>>) dst(%dma_wait3A_41 : memref<80x128xf32, #tpu.memory_space<vmem_shared>>)
      tpu.yield
    }) : () -> ()
    %add3A_11 = arith.constant 80 : i32
    %add3A_12 = arith.addi %mul3A_8, %add3A_11 : i32
    "tpu.region"() ({
      %run_scoped3A = tpu.sem_alloc : memref<!tpu.dma_semaphore, #tpu.memory_space<semaphore_mem>>
      %dma_start3A = arith.constant 0 : i32
      %dma_start3A_36 = tpu.memref_slice %arg9[%add3A_12, %dma_start3A] : memref<10112x128xf32, #tpu.memory_space<vmem_shared>> -> memref<80x128xf32, #tpu.memory_space<vmem_shared>>
      %dma_start3A_37 = arith.constant 0 : i32
      %dma_start3A_38 = tpu.memref_slice %arg9[%add3A_12, %dma_start3A_37] : memref<10112x128xf32, #tpu.memory_space<vmem_shared>> -> memref<80x128xf32, #tpu.memory_space<vmem_shared>>
      tpu.enqueue_dma source(%arg8 : memref<80x128xf32, #tpu.memory_space<vmem>>) target(%dma_start3A_38 : memref<80x128xf32, #tpu.memory_space<vmem_shared>>) target_semaphore(%run_scoped3A : memref<!tpu.dma_semaphore, #tpu.memory_space<semaphore_mem>>)
      %dma_wait3A = arith.constant 0 : i32
      %dma_wait3A_39 = tpu.memref_slice %arg9[%add3A_12, %dma_wait3A] : memref<10112x128xf32, #tpu.memory_space<vmem_shared>> -> memref<80x128xf32, #tpu.memory_space<vmem_shared>>
      %dma_wait3A_40 = arith.constant 0 : i32
      %dma_wait3A_41 = tpu.memref_slice %arg9[%add3A_12, %dma_wait3A_40] : memref<10112x128xf32, #tpu.memory_space<vmem_shared>> -> memref<80x128xf32, #tpu.memory_space<vmem_shared>>
      tpu.wait_dma2 semaphore(%run_scoped3A : memref<!tpu.dma_semaphore, #tpu.memory_space<semaphore_mem>>) src(%arg8 : memref<80x128xf32, #tpu.memory_space<vmem>>) dst(%dma_wait3A_41 : memref<80x128xf32, #tpu.memory_space<vmem_shared>>)
      tpu.yield
    }) : () -> ()
    %add3A_13 = arith.constant 160 : i32
    %add3A_14 = arith.addi %mul3A_8, %add3A_13 : i32
    "tpu.region"() ({
      %run_scoped3A = tpu.sem_alloc : memref<!tpu.dma_semaphore, #tpu.memory_space<semaphore_mem>>
      %dma_start3A = arith.constant 0 : i32
      %dma_start3A_36 = tpu.memref_slice %arg9[%add3A_14, %dma_start3A] : memref<10112x128xf32, #tpu.memory_space<vmem_shared>> -> memref<80x128xf32, #tpu.memory_space<vmem_shared>>
      %dma_start3A_37 = arith.constant 0 : i32
      %dma_start3A_38 = tpu.memref_slice %arg9[%add3A_14, %dma_start3A_37] : memref<10112x128xf32, #tpu.memory_space<vmem_shared>> -> memref<80x128xf32, #tpu.memory_space<vmem_shared>>
      tpu.enqueue_dma source(%arg8 : memref<80x128xf32, #tpu.memory_space<vmem>>) target(%dma_start3A_38 : memref<80x128xf32, #tpu.memory_space<vmem_shared>>) target_semaphore(%run_scoped3A : memref<!tpu.dma_semaphore, #tpu.memory_space<semaphore_mem>>)
      %dma_wait3A = arith.constant 0 : i32
      %dma_wait3A_39 = tpu.memref_slice %arg9[%add3A_14, %dma_wait3A] : memref<10112x128xf32, #tpu.memory_space<vmem_shared>> -> memref<80x128xf32, #tpu.memory_space<vmem_shared>>
      %dma_wait3A_40 = arith.constant 0 : i32
      %dma_wait3A_41 = tpu.memref_slice %arg9[%add3A_14, %dma_wait3A_40] : memref<10112x128xf32, #tpu.memory_space<vmem_shared>> -> memref<80x128xf32, #tpu.memory_space<vmem_shared>>
      tpu.wait_dma2 semaphore(%run_scoped3A : memref<!tpu.dma_semaphore, #tpu.memory_space<semaphore_mem>>) src(%arg8 : memref<80x128xf32, #tpu.memory_space<vmem>>) dst(%dma_wait3A_41 : memref<80x128xf32, #tpu.memory_space<vmem_shared>>)
      tpu.yield
    }) : () -> ()
    %add3A_15 = arith.constant 240 : i32
    %add3A_16 = arith.addi %mul3A_8, %add3A_15 : i32
    "tpu.region"() ({
      %run_scoped3A = tpu.sem_alloc : memref<!tpu.dma_semaphore, #tpu.memory_space<semaphore_mem>>
      %dma_start3A = arith.constant 0 : i32
      %dma_start3A_36 = tpu.memref_slice %arg9[%add3A_16, %dma_start3A] : memref<10112x128xf32, #tpu.memory_space<vmem_shared>> -> memref<80x128xf32, #tpu.memory_space<vmem_shared>>
      %dma_start3A_37 = arith.constant 0 : i32
      %dma_start3A_38 = tpu.memref_slice %arg9[%add3A_16, %dma_start3A_37] : memref<10112x128xf32, #tpu.memory_space<vmem_shared>> -> memref<80x128xf32, #tpu.memory_space<vmem_shared>>
      tpu.enqueue_dma source(%arg8 : memref<80x128xf32, #tpu.memory_space<vmem>>) target(%dma_start3A_38 : memref<80x128xf32, #tpu.memory_space<vmem_shared>>) target_semaphore(%run_scoped3A : memref<!tpu.dma_semaphore, #tpu.memory_space<semaphore_mem>>)
      %dma_wait3A = arith.constant 0 : i32
      %dma_wait3A_39 = tpu.memref_slice %arg9[%add3A_16, %dma_wait3A] : memref<10112x128xf32, #tpu.memory_space<vmem_shared>> -> memref<80x128xf32, #tpu.memory_space<vmem_shared>>
      %dma_wait3A_40 = arith.constant 0 : i32
      %dma_wait3A_41 = tpu.memref_slice %arg9[%add3A_16, %dma_wait3A_40] : memref<10112x128xf32, #tpu.memory_space<vmem_shared>> -> memref<80x128xf32, #tpu.memory_space<vmem_shared>>
      tpu.wait_dma2 semaphore(%run_scoped3A : memref<!tpu.dma_semaphore, #tpu.memory_space<semaphore_mem>>) src(%arg8 : memref<80x128xf32, #tpu.memory_space<vmem>>) dst(%dma_wait3A_41 : memref<80x128xf32, #tpu.memory_space<vmem_shared>>)
      tpu.yield
    }) : () -> ()
    %add3A_17 = arith.constant 320 : i32
    %add3A_18 = arith.addi %mul3A_8, %add3A_17 : i32
    "tpu.region"() ({
      %run_scoped3A = tpu.sem_alloc : memref<!tpu.dma_semaphore, #tpu.memory_space<semaphore_mem>>
      %dma_start3A = arith.constant 0 : i32
      %dma_start3A_36 = tpu.memref_slice %arg9[%add3A_18, %dma_start3A] : memref<10112x128xf32, #tpu.memory_space<vmem_shared>> -> memref<80x128xf32, #tpu.memory_space<vmem_shared>>
      %dma_start3A_37 = arith.constant 0 : i32
      %dma_start3A_38 = tpu.memref_slice %arg9[%add3A_18, %dma_start3A_37] : memref<10112x128xf32, #tpu.memory_space<vmem_shared>> -> memref<80x128xf32, #tpu.memory_space<vmem_shared>>
      tpu.enqueue_dma source(%arg8 : memref<80x128xf32, #tpu.memory_space<vmem>>) target(%dma_start3A_38 : memref<80x128xf32, #tpu.memory_space<vmem_shared>>) target_semaphore(%run_scoped3A : memref<!tpu.dma_semaphore, #tpu.memory_space<semaphore_mem>>)
      %dma_wait3A = arith.constant 0 : i32
      %dma_wait3A_39 = tpu.memref_slice %arg9[%add3A_18, %dma_wait3A] : memref<10112x128xf32, #tpu.memory_space<vmem_shared>> -> memref<80x128xf32, #tpu.memory_space<vmem_shared>>
      %dma_wait3A_40 = arith.constant 0 : i32
      %dma_wait3A_41 = tpu.memref_slice %arg9[%add3A_18, %dma_wait3A_40] : memref<10112x128xf32, #tpu.memory_space<vmem_shared>> -> memref<80x128xf32, #tpu.memory_space<vmem_shared>>
      tpu.wait_dma2 semaphore(%run_scoped3A : memref<!tpu.dma_semaphore, #tpu.memory_space<semaphore_mem>>) src(%arg8 : memref<80x128xf32, #tpu.memory_space<vmem>>) dst(%dma_wait3A_41 : memref<80x128xf32, #tpu.memory_space<vmem_shared>>)
      tpu.yield
    }) : () -> ()
    %add3A_19 = arith.constant 400 : i32
    %add3A_20 = arith.addi %mul3A_8, %add3A_19 : i32
    "tpu.region"() ({
      %run_scoped3A = tpu.sem_alloc : memref<!tpu.dma_semaphore, #tpu.memory_space<semaphore_mem>>
      %dma_start3A = arith.constant 0 : i32
      %dma_start3A_36 = tpu.memref_slice %arg9[%add3A_20, %dma_start3A] : memref<10112x128xf32, #tpu.memory_space<vmem_shared>> -> memref<80x128xf32, #tpu.memory_space<vmem_shared>>
      %dma_start3A_37 = arith.constant 0 : i32
      %dma_start3A_38 = tpu.memref_slice %arg9[%add3A_20, %dma_start3A_37] : memref<10112x128xf32, #tpu.memory_space<vmem_shared>> -> memref<80x128xf32, #tpu.memory_space<vmem_shared>>
      tpu.enqueue_dma source(%arg8 : memref<80x128xf32, #tpu.memory_space<vmem>>) target(%dma_start3A_38 : memref<80x128xf32, #tpu.memory_space<vmem_shared>>) target_semaphore(%run_scoped3A : memref<!tpu.dma_semaphore, #tpu.memory_space<semaphore_mem>>)
      %dma_wait3A = arith.constant 0 : i32
      %dma_wait3A_39 = tpu.memref_slice %arg9[%add3A_20, %dma_wait3A] : memref<10112x128xf32, #tpu.memory_space<vmem_shared>> -> memref<80x128xf32, #tpu.memory_space<vmem_shared>>
      %dma_wait3A_40 = arith.constant 0 : i32
      %dma_wait3A_41 = tpu.memref_slice %arg9[%add3A_20, %dma_wait3A_40] : memref<10112x128xf32, #tpu.memory_space<vmem_shared>> -> memref<80x128xf32, #tpu.memory_space<vmem_shared>>
      tpu.wait_dma2 semaphore(%run_scoped3A : memref<!tpu.dma_semaphore, #tpu.memory_space<semaphore_mem>>) src(%arg8 : memref<80x128xf32, #tpu.memory_space<vmem>>) dst(%dma_wait3A_41 : memref<80x128xf32, #tpu.memory_space<vmem_shared>>)
      tpu.yield
    }) : () -> ()
    %add3A_21 = arith.constant 480 : i32
    %add3A_22 = arith.addi %mul3A_8, %add3A_21 : i32
    "tpu.region"() ({
      %run_scoped3A = tpu.sem_alloc : memref<!tpu.dma_semaphore, #tpu.memory_space<semaphore_mem>>
      %dma_start3A = arith.constant 0 : i32
      %dma_start3A_36 = tpu.memref_slice %arg9[%add3A_22, %dma_start3A] : memref<10112x128xf32, #tpu.memory_space<vmem_shared>> -> memref<80x128xf32, #tpu.memory_space<vmem_shared>>
      %dma_start3A_37 = arith.constant 0 : i32
      %dma_start3A_38 = tpu.memref_slice %arg9[%add3A_22, %dma_start3A_37] : memref<10112x128xf32, #tpu.memory_space<vmem_shared>> -> memref<80x128xf32, #tpu.memory_space<vmem_shared>>
      tpu.enqueue_dma source(%arg8 : memref<80x128xf32, #tpu.memory_space<vmem>>) target(%dma_start3A_38 : memref<80x128xf32, #tpu.memory_space<vmem_shared>>) target_semaphore(%run_scoped3A : memref<!tpu.dma_semaphore, #tpu.memory_space<semaphore_mem>>)
      %dma_wait3A = arith.constant 0 : i32
      %dma_wait3A_39 = tpu.memref_slice %arg9[%add3A_22, %dma_wait3A] : memref<10112x128xf32, #tpu.memory_space<vmem_shared>> -> memref<80x128xf32, #tpu.memory_space<vmem_shared>>
      %dma_wait3A_40 = arith.constant 0 : i32
      %dma_wait3A_41 = tpu.memref_slice %arg9[%add3A_22, %dma_wait3A_40] : memref<10112x128xf32, #tpu.memory_space<vmem_shared>> -> memref<80x128xf32, #tpu.memory_space<vmem_shared>>
      tpu.wait_dma2 semaphore(%run_scoped3A : memref<!tpu.dma_semaphore, #tpu.memory_space<semaphore_mem>>) src(%arg8 : memref<80x128xf32, #tpu.memory_space<vmem>>) dst(%dma_wait3A_41 : memref<80x128xf32, #tpu.memory_space<vmem_shared>>)
      tpu.yield
    }) : () -> ()
    %add3A_23 = arith.constant 560 : i32
    %add3A_24 = arith.addi %mul3A_8, %add3A_23 : i32
    "tpu.region"() ({
      %run_scoped3A = tpu.sem_alloc : memref<!tpu.dma_semaphore, #tpu.memory_space<semaphore_mem>>
      %dma_start3A = arith.constant 0 : i32
      %dma_start3A_36 = arith.constant 0 : i32
      %dma_start3A_37 = tpu.memref_slice %arg8[%dma_start3A, %dma_start3A_36] : memref<80x128xf32, #tpu.memory_space<vmem>> -> memref<72x128xf32, #tpu.memory_space<vmem>>
      %dma_start3A_38 = arith.constant 0 : i32
      %dma_start3A_39 = tpu.memref_slice %arg9[%add3A_24, %dma_start3A_38] : memref<10112x128xf32, #tpu.memory_space<vmem_shared>> -> memref<72x128xf32, #tpu.memory_space<vmem_shared>>
      %dma_start3A_40 = arith.constant 0 : i32
      %dma_start3A_41 = tpu.memref_slice %arg9[%add3A_24, %dma_start3A_40] : memref<10112x128xf32, #tpu.memory_space<vmem_shared>> -> memref<72x128xf32, #tpu.memory_space<vmem_shared>>
      %dma_start3A_42 = arith.constant 0 : i32
      %dma_start3A_43 = arith.constant 0 : i32
      %dma_start3A_44 = tpu.memref_slice %arg8[%dma_start3A_42, %dma_start3A_43] : memref<80x128xf32, #tpu.memory_space<vmem>> -> memref<72x128xf32, #tpu.memory_space<vmem>>
      tpu.enqueue_dma source(%dma_start3A_44 : memref<72x128xf32, #tpu.memory_space<vmem>>) target(%dma_start3A_41 : memref<72x128xf32, #tpu.memory_space<vmem_shared>>) target_semaphore(%run_scoped3A : memref<!tpu.dma_semaphore, #tpu.memory_space<semaphore_mem>>)
      %dma_wait3A = arith.constant 0 : i32
      %dma_wait3A_45 = arith.constant 0 : i32
      %dma_wait3A_46 = tpu.memref_slice %arg8[%dma_wait3A, %dma_wait3A_45] : memref<80x128xf32, #tpu.memory_space<vmem>> -> memref<72x128xf32, #tpu.memory_space<vmem>>
      %dma_wait3A_47 = arith.constant 0 : i32
      %dma_wait3A_48 = tpu.memref_slice %arg9[%add3A_24, %dma_wait3A_47] : memref<10112x128xf32, #tpu.memory_space<vmem_shared>> -> memref<72x128xf32, #tpu.memory_space<vmem_shared>>
      %dma_wait3A_49 = arith.constant 0 : i32
      %dma_wait3A_50 = tpu.memref_slice %arg9[%add3A_24, %dma_wait3A_49] : memref<10112x128xf32, #tpu.memory_space<vmem_shared>> -> memref<72x128xf32, #tpu.memory_space<vmem_shared>>
      %dma_wait3A_51 = arith.constant 0 : i32
      %dma_wait3A_52 = arith.constant 0 : i32
      %dma_wait3A_53 = tpu.memref_slice %arg8[%dma_wait3A_51, %dma_wait3A_52] : memref<80x128xf32, #tpu.memory_space<vmem>> -> memref<72x128xf32, #tpu.memory_space<vmem>>
      tpu.wait_dma2 semaphore(%run_scoped3A : memref<!tpu.dma_semaphore, #tpu.memory_space<semaphore_mem>>) src(%dma_wait3A_53 : memref<72x128xf32, #tpu.memory_space<vmem>>) dst(%dma_wait3A_50 : memref<72x128xf32, #tpu.memory_space<vmem_shared>>)
      tpu.yield
    }) : () -> ()
    "tpu.region"() ({
      %run_scoped3A = tpu.sem_alloc : memref<!tpu.dma_semaphore, #tpu.memory_space<semaphore_mem>>
      %dma_start3A = arith.constant 0 : i32
      %dma_start3A_36 = tpu.memref_slice %arg2[%add3A, %dma_start3A] : memref<32x10000xi32, #tpu.memory_space<hbm>> -> memref<1x10000xi32, #tpu.memory_space<hbm>>
      %dma_start3A_37 = tpu.memref_squeeze %dma_start3A_36 : memref<1x10000xi32, #tpu.memory_space<hbm>> -> memref<10000xi32, #tpu.memory_space<hbm>>
      %dma_start3A_38 = arith.constant 0 : i32
      %dma_start3A_39 = tpu.memref_slice %arg2[%add3A, %dma_start3A_38] : memref<32x10000xi32, #tpu.memory_space<hbm>> -> memref<1x10000xi32, #tpu.memory_space<hbm>>
      %dma_start3A_40 = tpu.memref_squeeze %dma_start3A_39 : memref<1x10000xi32, #tpu.memory_space<hbm>> -> memref<10000xi32, #tpu.memory_space<hbm>>
      tpu.enqueue_dma source(%dma_start3A_40 : memref<10000xi32, #tpu.memory_space<hbm>>) target(%arg6 : memref<10000xi32, #tpu.memory_space<vmem>>) target_semaphore(%run_scoped3A : memref<!tpu.dma_semaphore, #tpu.memory_space<semaphore_mem>>)
      %dma_wait3A = arith.constant 0 : i32
      %dma_wait3A_41 = tpu.memref_slice %arg2[%add3A, %dma_wait3A] : memref<32x10000xi32, #tpu.memory_space<hbm>> -> memref<1x10000xi32, #tpu.memory_space<hbm>>
      %dma_wait3A_42 = tpu.memref_squeeze %dma_wait3A_41 : memref<1x10000xi32, #tpu.memory_space<hbm>> -> memref<10000xi32, #tpu.memory_space<hbm>>
      %dma_wait3A_43 = arith.constant 0 : i32
      %dma_wait3A_44 = tpu.memref_slice %arg2[%add3A, %dma_wait3A_43] : memref<32x10000xi32, #tpu.memory_space<hbm>> -> memref<1x10000xi32, #tpu.memory_space<hbm>>
      %dma_wait3A_45 = tpu.memref_squeeze %dma_wait3A_44 : memref<1x10000xi32, #tpu.memory_space<hbm>> -> memref<10000xi32, #tpu.memory_space<hbm>>
      tpu.wait_dma2 semaphore(%run_scoped3A : memref<!tpu.dma_semaphore, #tpu.memory_space<semaphore_mem>>) src(%dma_wait3A_45 : memref<10000xi32, #tpu.memory_space<hbm>>) dst(%arg6 : memref<10000xi32, #tpu.memory_space<vmem>>)
      tpu.yield
    }) : () -> ()
    "tpu.region"() ({
      %run_scoped3A = tpu.sem_alloc : memref<!tpu.dma_semaphore, #tpu.memory_space<semaphore_mem>>
      %dma_start3A = arith.constant 0 : i32
      %dma_start3A_36 = arith.constant 0 : i32
      %dma_start3A_37 = tpu.memref_slice %arg3[%add3A, %dma_start3A, %dma_start3A_36] : memref<32x125x80xi32, #tpu.memory_space<hbm>> -> memref<1x125x80xi32, #tpu.memory_space<hbm>>
      %dma_start3A_38 = tpu.memref_squeeze %dma_start3A_37 : memref<1x125x80xi32, #tpu.memory_space<hbm>> -> memref<125x80xi32, #tpu.memory_space<hbm>>
      %dma_start3A_39 = arith.constant 0 : i32
      %dma_start3A_40 = arith.constant 0 : i32
      %dma_start3A_41 = tpu.memref_slice %arg3[%add3A, %dma_start3A_39, %dma_start3A_40] : memref<32x125x80xi32, #tpu.memory_space<hbm>> -> memref<1x125x80xi32, #tpu.memory_space<hbm>>
      %dma_start3A_42 = tpu.memref_squeeze %dma_start3A_41 : memref<1x125x80xi32, #tpu.memory_space<hbm>> -> memref<125x80xi32, #tpu.memory_space<hbm>>
      tpu.enqueue_dma source(%dma_start3A_42 : memref<125x80xi32, #tpu.memory_space<hbm>>) target(%arg7 : memref<125x80xi32, #tpu.memory_space<vmem>>) target_semaphore(%run_scoped3A : memref<!tpu.dma_semaphore, #tpu.memory_space<semaphore_mem>>)
      %dma_wait3A = arith.constant 0 : i32
      %dma_wait3A_43 = arith.constant 0 : i32
      %dma_wait3A_44 = tpu.memref_slice %arg3[%add3A, %dma_wait3A, %dma_wait3A_43] : memref<32x125x80xi32, #tpu.memory_space<hbm>> -> memref<1x125x80xi32, #tpu.memory_space<hbm>>
      %dma_wait3A_45 = tpu.memref_squeeze %dma_wait3A_44 : memref<1x125x80xi32, #tpu.memory_space<hbm>> -> memref<125x80xi32, #tpu.memory_space<hbm>>
      %dma_wait3A_46 = arith.constant 0 : i32
      %dma_wait3A_47 = arith.constant 0 : i32
      %dma_wait3A_48 = tpu.memref_slice %arg3[%add3A, %dma_wait3A_46, %dma_wait3A_47] : memref<32x125x80xi32, #tpu.memory_space<hbm>> -> memref<1x125x80xi32, #tpu.memory_space<hbm>>
      %dma_wait3A_49 = tpu.memref_squeeze %dma_wait3A_48 : memref<1x125x80xi32, #tpu.memory_space<hbm>> -> memref<125x80xi32, #tpu.memory_space<hbm>>
      tpu.wait_dma2 semaphore(%run_scoped3A : memref<!tpu.dma_semaphore, #tpu.memory_space<semaphore_mem>>) src(%dma_wait3A_49 : memref<125x80xi32, #tpu.memory_space<hbm>>) dst(%arg7 : memref<125x80xi32, #tpu.memory_space<vmem>>)
      tpu.yield
    }) : () -> ()
    %barrier3A = arith.constant 0 : index
    tpu.barrier barrier_id(%barrier3A)
    %scan3A_25 = arith.constant 0 : i32
    %scan3A_26 = arith.constant 0 : i32
    %scan3A_27 = arith.constant 125 : i32
    %scan3A_28 = arith.addi %scan3A_26, %scan3A_27 : i32
    %scan3A_29 = arith.constant 1 : i32
    scf.for %scan3A_36 = %scan3A_26 to %scan3A_28 step %scan3A_29  : i32 {
      %mul3A_37 = arith.constant 80 : i32
      %mul3A_38 = arith.muli %scan3A_36, %mul3A_37 : i32
      %dma_start3A = tpu.memref_slice %arg6[%mul3A_38] : memref<10000xi32, #tpu.memory_space<vmem>> -> memref<80xi32, #tpu.memory_space<vmem>>
      %dma_start3A_39 = arith.constant 0 : i32
      %dma_start3A_40 = arith.constant 0 : i32
      %dma_start3A_41 = tpu.memref_slice %arg4[%dma_start3A_39, %dma_start3A_40] : memref<10000x128xf32, #tpu.memory_space<hbm>> -> memref<10000x128xf32, #tpu.memory_space<hbm>>
      tpu.enqueue_indirect_dma source(%dma_start3A_41 : memref<10000x128xf32, #tpu.memory_space<hbm>>) target(%arg8 : memref<80x128xf32, #tpu.memory_space<vmem>>) offsets(%dma_start3A : memref<80xi32, #tpu.memory_space<vmem>>) semaphore(%arg10 : memref<!tpu.dma_semaphore, #tpu.memory_space<semaphore_mem>>)
      %dma_wait3A = tpu.memref_slice %arg6[%mul3A_38] : memref<10000xi32, #tpu.memory_space<vmem>> -> memref<80xi32, #tpu.memory_space<vmem>>
      %dma_wait3A_42 = arith.constant 0 : i32
      %dma_wait3A_43 = arith.constant 0 : i32
      %dma_wait3A_44 = tpu.memref_slice %arg4[%dma_wait3A_42, %dma_wait3A_43] : memref<10000x128xf32, #tpu.memory_space<hbm>> -> memref<10000x128xf32, #tpu.memory_space<hbm>>
      tpu.wait_indirect_dma semaphore(%arg10 : memref<!tpu.dma_semaphore, #tpu.memory_space<semaphore_mem>>) src(%dma_wait3A_44 : memref<10000x128xf32, #tpu.memory_space<hbm>>) dst(%arg8 : memref<80x128xf32, #tpu.memory_space<vmem>>)
      "tpu.region"() ({
        %run_scoped3A = tpu.sem_alloc : memref<!tpu.dma_semaphore, #tpu.memory_space<semaphore_mem>>
        %dma_start3A_45 = arith.constant 0 : i32
        %dma_start3A_46 = tpu.memref_slice %arg7[%scan3A_36, %dma_start3A_45] : memref<125x80xi32, #tpu.memory_space<vmem>> -> memref<1x80xi32, #tpu.memory_space<vmem>>
        %dma_start3A_47 = tpu.memref_squeeze %dma_start3A_46 : memref<1x80xi32, #tpu.memory_space<vmem>> -> memref<80xi32, #tpu.memory_space<vmem>>
        %dma_start3A_48 = arith.constant 0 : i32
        %dma_start3A_49 = arith.constant 0 : i32
        %dma_start3A_50 = tpu.memref_slice %arg9[%dma_start3A_48, %dma_start3A_49] : memref<10112x128xf32, #tpu.memory_space<vmem_shared>> -> memref<10112x128xf32, #tpu.memory_space<vmem_shared>>
        tpu.enqueue_indirect_dma source(%arg8 : memref<80x128xf32, #tpu.memory_space<vmem>>) target(%dma_start3A_50 : memref<10112x128xf32, #tpu.memory_space<vmem_shared>>) offsets(%dma_start3A_47 : memref<80xi32, #tpu.memory_space<vmem>>) semaphore(%run_scoped3A : memref<!tpu.dma_semaphore, #tpu.memory_space<semaphore_mem>>) {add = true}
        %dma_wait3A_51 = arith.constant 0 : i32
        %dma_wait3A_52 = tpu.memref_slice %arg7[%scan3A_36, %dma_wait3A_51] : memref<125x80xi32, #tpu.memory_space<vmem>> -> memref<1x80xi32, #tpu.memory_space<vmem>>
        %dma_wait3A_53 = tpu.memref_squeeze %dma_wait3A_52 : memref<1x80xi32, #tpu.memory_space<vmem>> -> memref<80xi32, #tpu.memory_space<vmem>>
        %dma_wait3A_54 = arith.constant 0 : i32
        %dma_wait3A_55 = arith.constant 0 : i32
        %dma_wait3A_56 = tpu.memref_slice %arg9[%dma_wait3A_54, %dma_wait3A_55] : memref<10112x128xf32, #tpu.memory_space<vmem_shared>> -> memref<10112x128xf32, #tpu.memory_space<vmem_shared>>
        tpu.wait_indirect_dma semaphore(%run_scoped3A : memref<!tpu.dma_semaphore, #tpu.memory_space<semaphore_mem>>) src(%arg8 : memref<80x128xf32, #tpu.memory_space<vmem>>) dst(%dma_wait3A_56 : memref<10112x128xf32, #tpu.memory_space<vmem_shared>>)
        tpu.yield
      }) : () -> ()
    }
    %scan3A_30 = arith.constant 125 : i32
    %barrier3A_31 = arith.constant 0 : index
    tpu.barrier barrier_id(%barrier3A_31)
    %mul3A_32 = arith.constant 632 : i32
    %mul3A_33 = arith.muli %arg1, %mul3A_32 : i32
    %mul3A_34 = arith.constant 632 : i32
    %mul3A_35 = arith.muli %arg1, %mul3A_34 : i32
    "tpu.region"() ({
      %run_scoped3A = tpu.sem_alloc : memref<!tpu.dma_semaphore, #tpu.memory_space<semaphore_mem>>
      %dma_start3A = arith.constant 0 : i32
      %dma_start3A_36 = tpu.memref_slice %arg5[%arg0, %mul3A_35, %dma_start3A] : memref<2x10112x128xf32, #tpu.memory_space<hbm>> -> memref<1x632x128xf32, #tpu.memory_space<hbm>>
      %dma_start3A_37 = tpu.memref_squeeze %dma_start3A_36 : memref<1x632x128xf32, #tpu.memory_space<hbm>> -> memref<632x128xf32, #tpu.memory_space<hbm>>
      %dma_start3A_38 = arith.constant 0 : i32
      %dma_start3A_39 = tpu.memref_slice %arg9[%mul3A_33, %dma_start3A_38] : memref<10112x128xf32, #tpu.memory_space<vmem_shared>> -> memref<632x128xf32, #tpu.memory_space<vmem_shared>>
      tpu.enqueue_dma source(%dma_start3A_39 : memref<632x128xf32, #tpu.memory_space<vmem_shared>>) target(%dma_start3A_37 : memref<632x128xf32, #tpu.memory_space<hbm>>) target_semaphore(%run_scoped3A : memref<!tpu.dma_semaphore, #tpu.memory_space<semaphore_mem>>)
      %dma_wait3A = arith.constant 0 : i32
      %dma_wait3A_40 = tpu.memref_slice %arg5[%arg0, %mul3A_35, %dma_wait3A] : memref<2x10112x128xf32, #tpu.memory_space<hbm>> -> memref<1x632x128xf32, #tpu.memory_space<hbm>>
      %dma_wait3A_41 = tpu.memref_squeeze %dma_wait3A_40 : memref<1x632x128xf32, #tpu.memory_space<hbm>> -> memref<632x128xf32, #tpu.memory_space<hbm>>
      %dma_wait3A_42 = arith.constant 0 : i32
      %dma_wait3A_43 = tpu.memref_slice %arg9[%mul3A_33, %dma_wait3A_42] : memref<10112x128xf32, #tpu.memory_space<vmem_shared>> -> memref<632x128xf32, #tpu.memory_space<vmem_shared>>
      tpu.wait_dma2 semaphore(%run_scoped3A : memref<!tpu.dma_semaphore, #tpu.memory_space<semaphore_mem>>) src(%dma_wait3A_43 : memref<632x128xf32, #tpu.memory_space<vmem_shared>>) dst(%dma_wait3A_41 : memref<632x128xf32, #tpu.memory_space<hbm>>)
      tpu.yield
    }) : () -> ()
    return
  }
}

module attributes {stable_mosaic.version = 14 : i64} {
  func.func @_mlp_body(%arg0: i32, %arg1: memref<2000x128xf32, #tpu.memory_space<vmem>>, %arg2: memref<2000x128xf32, #tpu.memory_space<vmem>>, %arg3: memref<2000x128xf32, #tpu.memory_space<vmem>>, %arg4: memref<1x1x2000xi32, #tpu.memory_space<vmem>>, %arg5: memref<128x128xf32, #tpu.memory_space<vmem>>, %arg6: memref<1x128xf32, #tpu.memory_space<vmem>>, %arg7: memref<128x128xf32, #tpu.memory_space<vmem>>, %arg8: memref<1x128xf32, #tpu.memory_space<vmem>>, %arg9: memref<1x128xf32, #tpu.memory_space<vmem>>, %arg10: memref<1x128xf32, #tpu.memory_space<vmem>>, %arg11: memref<2000x128xf32, #tpu.memory_space<vmem>>, %arg12: memref<64x128xf32, #tpu.memory_space<vmem>>, %arg13: memref<64x128xf32, #tpu.memory_space<vmem>>) attributes {dimension_semantics = [#tpu.dimension_semantics<arbitrary>], iteration_bounds = array<i64: 5>, scalar_prefetch = 0 : i64, scratch_operands = 0 : i64, tpu.core_type = #tpu.core_type<tc>, window_params = [{transform_indices = @transform_0, window_bounds = array<i64: 2000, 128>}, {transform_indices = @transform_1, window_bounds = array<i64: 2000, 128>}, {transform_indices = @transform_2, window_bounds = array<i64: 2000, 128>}, {transform_indices = @transform_3, window_bounds = array<i64: 1, 1, 2000>}, {pipeline_mode = #tpu.pipeline_mode<synchronous>, transform_indices = @transform_4, window_bounds = array<i64: 128, 128>}, {pipeline_mode = #tpu.pipeline_mode<synchronous>, transform_indices = @transform_5, window_bounds = array<i64: 1, 128>}, {pipeline_mode = #tpu.pipeline_mode<synchronous>, transform_indices = @transform_6, window_bounds = array<i64: 128, 128>}, {pipeline_mode = #tpu.pipeline_mode<synchronous>, transform_indices = @transform_7, window_bounds = array<i64: 1, 128>}, {pipeline_mode = #tpu.pipeline_mode<synchronous>, transform_indices = @transform_8, window_bounds = array<i64: 1, 128>}, {pipeline_mode = #tpu.pipeline_mode<synchronous>, transform_indices = @transform_9, window_bounds = array<i64: 1, 128>}, {transform_indices = @transform_10, window_bounds = array<i64: 2000, 128>}, {pipeline_mode = #tpu.pipeline_mode<synchronous>, transform_indices = @transform_11, window_bounds = array<i64: 64, 128>}, {pipeline_mode = #tpu.pipeline_mode<synchronous>, transform_indices = @transform_12, window_bounds = array<i64: 64, 128>}]} {
    %get3A = arith.constant 0 : index
    %get3A_0 = arith.constant 0 : index
    %get3A_1 = vector.load %arg1[%get3A, %get3A_0] : memref<2000x128xf32, #tpu.memory_space<vmem>>, vector<2000x128xf32>
    %get3A_2 = arith.constant 0 : index
    %get3A_3 = arith.constant 0 : index
    %get3A_4 = vector.load %arg2[%get3A_2, %get3A_3] : memref<2000x128xf32, #tpu.memory_space<vmem>>, vector<2000x128xf32>
    %add3A = arith.addf %get3A_1, %get3A_4 : vector<2000x128xf32>
    %get3A_5 = arith.constant 0 : index
    %get3A_6 = arith.constant 0 : index
    %get3A_7 = vector.load %arg3[%get3A_5, %get3A_6] : memref<2000x128xf32, #tpu.memory_space<vmem>>, vector<2000x128xf32>
    %add3A_8 = arith.addf %add3A, %get3A_7 : vector<2000x128xf32>
    %get3A_9 = arith.constant 0 : index
    %get3A_10 = arith.constant 0 : index
    %get3A_11 = vector.load %arg5[%get3A_9, %get3A_10] : memref<128x128xf32, #tpu.memory_space<vmem>>, vector<128x128xf32>
    %dot_general3A = arith.constant dense<0.000000e+00> : vector<2000x128xf32>
    %dot_general3A_12 = tpu.matmul %add3A_8, %get3A_11, %dot_general3A {dimension_numbers = #tpu.dot_dimension_numbers<[1], [0], [0], [1], [0, 0, 1, 1], [], []>, transpose_lhs_hint = false} : vector<2000x128xf32>, vector<128x128xf32>, vector<2000x128xf32> -> vector<2000x128xf32>
    %get3A_13 = arith.constant 0 : index
    %get3A_14 = arith.constant 0 : index
    %get3A_15 = vector.load %arg6[%get3A_13, %get3A_14] : memref<1x128xf32, #tpu.memory_space<vmem>>, vector<1x128xf32>
    %add3A_16 = vector.broadcast %get3A_15 : vector<1x128xf32> to vector<2000x128xf32>
    %add3A_17 = arith.addf %dot_general3A_12, %add3A_16 : vector<2000x128xf32>
    %max3A = arith.constant 0.000000e+00 : f32
    %max3A_18 = vector.broadcast %max3A : f32 to vector<2000x128xf32>
    %max3A_19 = arith.maximumf %add3A_17, %max3A_18 : vector<2000x128xf32>
    %get3A_20 = arith.constant 0 : index
    %get3A_21 = arith.constant 0 : index
    %get3A_22 = vector.load %arg7[%get3A_20, %get3A_21] : memref<128x128xf32, #tpu.memory_space<vmem>>, vector<128x128xf32>
    %dot_general3A_23 = arith.constant dense<0.000000e+00> : vector<2000x128xf32>
    %dot_general3A_24 = tpu.matmul %max3A_19, %get3A_22, %dot_general3A_23 {dimension_numbers = #tpu.dot_dimension_numbers<[1], [0], [0], [1], [0, 0, 1, 1], [], []>, transpose_lhs_hint = false} : vector<2000x128xf32>, vector<128x128xf32>, vector<2000x128xf32> -> vector<2000x128xf32>
    %get3A_25 = arith.constant 0 : index
    %get3A_26 = arith.constant 0 : index
    %get3A_27 = vector.load %arg8[%get3A_25, %get3A_26] : memref<1x128xf32, #tpu.memory_space<vmem>>, vector<1x128xf32>
    %add3A_28 = vector.broadcast %get3A_27 : vector<1x128xf32> to vector<2000x128xf32>
    %add3A_29 = arith.addf %dot_general3A_24, %add3A_28 : vector<2000x128xf32>
    %max3A_30 = arith.constant 0.000000e+00 : f32
    %max3A_31 = vector.broadcast %max3A_30 : f32 to vector<2000x128xf32>
    %max3A_32 = arith.maximumf %add3A_29, %max3A_31 : vector<2000x128xf32>
    %get3A_33 = arith.constant 0 : index
    %get3A_34 = arith.constant 0 : index
    %get3A_35 = vector.load %arg9[%get3A_33, %get3A_34] : memref<1x128xf32, #tpu.memory_space<vmem>>, vector<1x128xf32>
    %mul3A = vector.broadcast %get3A_35 : vector<1x128xf32> to vector<2000x128xf32>
    %mul3A_36 = arith.mulf %max3A_32, %mul3A : vector<2000x128xf32>
    %get3A_37 = arith.constant 0 : index
    %get3A_38 = arith.constant 0 : index
    %get3A_39 = vector.load %arg10[%get3A_37, %get3A_38] : memref<1x128xf32, #tpu.memory_space<vmem>>, vector<1x128xf32>
    %add3A_40 = vector.broadcast %get3A_39 : vector<1x128xf32> to vector<2000x128xf32>
    %add3A_41 = arith.addf %mul3A_36, %add3A_40 : vector<2000x128xf32>
    %get3A_42 = arith.constant 0 : index
    %get3A_43 = arith.constant 0 : index
    %get3A_44 = arith.constant 0 : index
    %get3A_45 = vector.load %arg4[%get3A_42, %get3A_43, %get3A_44] : memref<1x1x2000xi32, #tpu.memory_space<vmem>>, vector<1x1x2000xi32>
    %get3A_46 = vector.shape_cast %get3A_45 : vector<1x1x2000xi32> to vector<2000xi32>
    %iota3A = tpu.iota {dimensions = array<i32: 0>} : vector<64x2000xi32>
    %broadcast_in_dim3A = vector.shape_cast %get3A_46 : vector<2000xi32> to vector<1x2000xi32>
    %eq3A = vector.broadcast %broadcast_in_dim3A : vector<1x2000xi32> to vector<64x2000xi32>
    %eq3A_47 = arith.cmpi eq, %iota3A, %eq3A : vector<64x2000xi32>
    %convert_element_type3A = arith.extui %eq3A_47 : vector<64x2000xi1> to vector<64x2000xi32>
    %convert_element_type3A_48 = arith.sitofp %convert_element_type3A : vector<64x2000xi32> to vector<64x2000xf32>
    %eq3A_49 = arith.constant 0 : i32
    %eq3A_50 = arith.cmpi eq, %arg0, %eq3A_49 : i32
    %convert_element_type3A_51 = arith.extui %eq3A_50 : i1 to i32
    %cond3A = arith.constant 0 : i32
    %cond3A_52 = arith.cmpi ne, %convert_element_type3A_51, %cond3A : i32
    scf.if %cond3A_52 {
      %broadcast_in_dim3A_75 = arith.constant 0.000000e+00 : f32
      %broadcast_in_dim3A_76 = vector.broadcast %broadcast_in_dim3A_75 : f32 to vector<64x128xf32>
      %swap3A_77 = arith.constant 0 : index
      %swap3A_78 = arith.constant 0 : index
      %swap3A_79 = vector.load %arg12[%swap3A_77, %swap3A_78] : memref<64x128xf32, #tpu.memory_space<vmem>>, vector<64x128xf32>
      tpu.vector_store %arg12[%swap3A_77, %swap3A_78], %broadcast_in_dim3A_76 {strides = array<i32>} : memref<64x128xf32, #tpu.memory_space<vmem>>, vector<64x128xf32>,
      %broadcast_in_dim3A_80 = arith.constant 0.000000e+00 : f32
      %broadcast_in_dim3A_81 = vector.broadcast %broadcast_in_dim3A_80 : f32 to vector<64x128xf32>
      %swap3A_82 = arith.constant 0 : index
      %swap3A_83 = arith.constant 0 : index
      %swap3A_84 = vector.load %arg13[%swap3A_82, %swap3A_83] : memref<64x128xf32, #tpu.memory_space<vmem>>, vector<64x128xf32>
      tpu.vector_store %arg13[%swap3A_82, %swap3A_83], %broadcast_in_dim3A_81 {strides = array<i32>} : memref<64x128xf32, #tpu.memory_space<vmem>>, vector<64x128xf32>,
    } else {
    }
    %get3A_53 = arith.constant 0 : index
    %get3A_54 = arith.constant 0 : index
    %get3A_55 = vector.load %arg12[%get3A_53, %get3A_54] : memref<64x128xf32, #tpu.memory_space<vmem>>, vector<64x128xf32>
    %dot_general3A_56 = arith.constant dense<0.000000e+00> : vector<64x128xf32>
    %dot_general3A_57 = tpu.matmul %convert_element_type3A_48, %add3A_41, %dot_general3A_56 {dimension_numbers = #tpu.dot_dimension_numbers<[1], [0], [0], [1], [0, 0, 1, 1], [], []>, transpose_lhs_hint = false} : vector<64x2000xf32>, vector<2000x128xf32>, vector<64x128xf32> -> vector<64x128xf32>
    %add3A_58 = arith.addf %get3A_55, %dot_general3A_57 : vector<64x128xf32>
    %swap3A = arith.constant 0 : index
    %swap3A_59 = arith.constant 0 : index
    %swap3A_60 = vector.load %arg12[%swap3A, %swap3A_59] : memref<64x128xf32, #tpu.memory_space<vmem>>, vector<64x128xf32>
    tpu.vector_store %arg12[%swap3A, %swap3A_59], %add3A_58 {strides = array<i32>} : memref<64x128xf32, #tpu.memory_space<vmem>>, vector<64x128xf32>,
    %get3A_61 = arith.constant 0 : index
    %get3A_62 = arith.constant 0 : index
    %get3A_63 = vector.load %arg13[%get3A_61, %get3A_62] : memref<64x128xf32, #tpu.memory_space<vmem>>, vector<64x128xf32>
    %reduce_sum3A = arith.constant dense<0.000000e+00> : vector<64xf32>
    %reduce_sum3A_64 = vector.multi_reduction <add>, %convert_element_type3A_48, %reduce_sum3A [1] : vector<64x2000xf32> to vector<64xf32>
    %broadcast_in_dim3A_65 = vector.shape_cast %reduce_sum3A_64 : vector<64xf32> to vector<64x1xf32>
    %broadcast_in_dim3A_66 = vector.shape_cast %broadcast_in_dim3A_65 : vector<64x1xf32> to vector<64x1xf32>
    %broadcast_in_dim3A_67 = vector.broadcast %broadcast_in_dim3A_66 : vector<64x1xf32> to vector<64x128xf32>
    %add3A_68 = arith.addf %get3A_63, %broadcast_in_dim3A_67 : vector<64x128xf32>
    %swap3A_69 = arith.constant 0 : index
    %swap3A_70 = arith.constant 0 : index
    %swap3A_71 = vector.load %arg13[%swap3A_69, %swap3A_70] : memref<64x128xf32, #tpu.memory_space<vmem>>, vector<64x128xf32>
    tpu.vector_store %arg13[%swap3A_69, %swap3A_70], %add3A_68 {strides = array<i32>} : memref<64x128xf32, #tpu.memory_space<vmem>>, vector<64x128xf32>,
    %swap3A_72 = arith.constant 0 : index
    %swap3A_73 = arith.constant 0 : index
    %swap3A_74 = vector.load %arg11[%swap3A_72, %swap3A_73] : memref<2000x128xf32, #tpu.memory_space<vmem>>, vector<2000x128xf32>
    tpu.vector_store %arg11[%swap3A_72, %swap3A_73], %add3A_41 {strides = array<i32>} : memref<2000x128xf32, #tpu.memory_space<vmem>>, vector<2000x128xf32>,
    return
  }
  func.func @transform_0(%arg0: i32) -> (i32, i32) {
    %c0_i32 = arith.constant 0 : i32
    %c0_i32_0 = arith.constant 0 : i32
    return %arg0, %c0_i32 : i32, i32
  }
  func.func @transform_1(%arg0: i32) -> (i32, i32) {
    %c0_i32 = arith.constant 0 : i32
    %c0_i32_0 = arith.constant 0 : i32
    return %arg0, %c0_i32 : i32, i32
  }
  func.func @transform_2(%arg0: i32) -> (i32, i32) {
    %c0_i32 = arith.constant 0 : i32
    %c0_i32_0 = arith.constant 0 : i32
    return %arg0, %c0_i32 : i32, i32
  }
  func.func @transform_3(%arg0: i32) -> (i32, i32, i32) {
    %c0_i32 = arith.constant 0 : i32
    %c0_i32_0 = arith.constant 0 : i32
    %c0_i32_1 = arith.constant 0 : i32
    return %arg0, %c0_i32, %c0_i32_0 : i32, i32, i32
  }
  func.func @transform_4(%arg0: i32) -> (i32, i32) {
    %c0_i32 = arith.constant 0 : i32
    %c0_i32_0 = arith.constant 0 : i32
    %c0_i32_1 = arith.constant 0 : i32
    return %c0_i32, %c0_i32_0 : i32, i32
  }
  func.func @transform_5(%arg0: i32) -> (i32, i32) {
    %c0_i32 = arith.constant 0 : i32
    %c0_i32_0 = arith.constant 0 : i32
    %c0_i32_1 = arith.constant 0 : i32
    return %c0_i32, %c0_i32_0 : i32, i32
  }
  func.func @transform_6(%arg0: i32) -> (i32, i32) {
    %c0_i32 = arith.constant 0 : i32
    %c0_i32_0 = arith.constant 0 : i32
    %c0_i32_1 = arith.constant 0 : i32
    return %c0_i32, %c0_i32_0 : i32, i32
  }
  func.func @transform_7(%arg0: i32) -> (i32, i32) {
    %c0_i32 = arith.constant 0 : i32
    %c0_i32_0 = arith.constant 0 : i32
    %c0_i32_1 = arith.constant 0 : i32
    return %c0_i32, %c0_i32_0 : i32, i32
  }
  func.func @transform_8(%arg0: i32) -> (i32, i32) {
    %c0_i32 = arith.constant 0 : i32
    %c0_i32_0 = arith.constant 0 : i32
    %c0_i32_1 = arith.constant 0 : i32
    return %c0_i32, %c0_i32_0 : i32, i32
  }
  func.func @transform_9(%arg0: i32) -> (i32, i32) {
    %c0_i32 = arith.constant 0 : i32
    %c0_i32_0 = arith.constant 0 : i32
    %c0_i32_1 = arith.constant 0 : i32
    return %c0_i32, %c0_i32_0 : i32, i32
  }
  func.func @transform_10(%arg0: i32) -> (i32, i32) {
    %c0_i32 = arith.constant 0 : i32
    %c0_i32_0 = arith.constant 0 : i32
    return %arg0, %c0_i32 : i32, i32
  }
  func.func @transform_11(%arg0: i32) -> (i32, i32) {
    %c0_i32 = arith.constant 0 : i32
    %c0_i32_0 = arith.constant 0 : i32
    %c0_i32_1 = arith.constant 0 : i32
    return %c0_i32, %c0_i32_0 : i32, i32
  }
  func.func @transform_12(%arg0: i32) -> (i32, i32) {
    %c0_i32 = arith.constant 0 : i32
    %c0_i32_0 = arith.constant 0 : i32
    %c0_i32_1 = arith.constant 0 : i32
    return %c0_i32, %c0_i32_0 : i32, i32
  }
}

module attributes {stable_mosaic.version = 14 : i64} {
  func.func @_mlp_body(%arg0: i32, %arg1: memref<2000x128xf32, #tpu.memory_space<vmem>>, %arg2: memref<2000x128xf32, #tpu.memory_space<vmem>>, %arg3: memref<2000x128xf32, #tpu.memory_space<vmem>>, %arg4: memref<1x1x2000xi32, #tpu.memory_space<vmem>>, %arg5: memref<128x128xf32, #tpu.memory_space<vmem>>, %arg6: memref<1x128xf32, #tpu.memory_space<vmem>>, %arg7: memref<128x128xf32, #tpu.memory_space<vmem>>, %arg8: memref<1x128xf32, #tpu.memory_space<vmem>>, %arg9: memref<1x128xf32, #tpu.memory_space<vmem>>, %arg10: memref<1x128xf32, #tpu.memory_space<vmem>>, %arg11: memref<2000x128xf32, #tpu.memory_space<vmem>>, %arg12: memref<64x128xf32, #tpu.memory_space<vmem>>, %arg13: memref<64x128xf32, #tpu.memory_space<vmem>>) attributes {dimension_semantics = [#tpu.dimension_semantics<arbitrary>], iteration_bounds = array<i64: 5>, scalar_prefetch = 0 : i64, scratch_operands = 0 : i64, tpu.core_type = #tpu.core_type<tc>, window_params = [{transform_indices = @transform_0, window_bounds = array<i64: 2000, 128>}, {transform_indices = @transform_1, window_bounds = array<i64: 2000, 128>}, {transform_indices = @transform_2, window_bounds = array<i64: 2000, 128>}, {transform_indices = @transform_3, window_bounds = array<i64: 1, 1, 2000>}, {pipeline_mode = #tpu.pipeline_mode<synchronous>, transform_indices = @transform_4, window_bounds = array<i64: 128, 128>}, {pipeline_mode = #tpu.pipeline_mode<synchronous>, transform_indices = @transform_5, window_bounds = array<i64: 1, 128>}, {pipeline_mode = #tpu.pipeline_mode<synchronous>, transform_indices = @transform_6, window_bounds = array<i64: 128, 128>}, {pipeline_mode = #tpu.pipeline_mode<synchronous>, transform_indices = @transform_7, window_bounds = array<i64: 1, 128>}, {pipeline_mode = #tpu.pipeline_mode<synchronous>, transform_indices = @transform_8, window_bounds = array<i64: 1, 128>}, {pipeline_mode = #tpu.pipeline_mode<synchronous>, transform_indices = @transform_9, window_bounds = array<i64: 1, 128>}, {transform_indices = @transform_10, window_bounds = array<i64: 2000, 128>}, {pipeline_mode = #tpu.pipeline_mode<synchronous>, transform_indices = @transform_11, window_bounds = array<i64: 64, 128>}, {pipeline_mode = #tpu.pipeline_mode<synchronous>, transform_indices = @transform_12, window_bounds = array<i64: 64, 128>}]} {
    %get3A = arith.constant 0 : index
    %get3A_0 = arith.constant 0 : index
    %get3A_1 = vector.load %arg1[%get3A, %get3A_0] : memref<2000x128xf32, #tpu.memory_space<vmem>>, vector<2000x128xf32>
    %get3A_2 = arith.constant 0 : index
    %get3A_3 = arith.constant 0 : index
    %get3A_4 = vector.load %arg2[%get3A_2, %get3A_3] : memref<2000x128xf32, #tpu.memory_space<vmem>>, vector<2000x128xf32>
    %add3A = arith.addf %get3A_1, %get3A_4 : vector<2000x128xf32>
    %get3A_5 = arith.constant 0 : index
    %get3A_6 = arith.constant 0 : index
    %get3A_7 = vector.load %arg3[%get3A_5, %get3A_6] : memref<2000x128xf32, #tpu.memory_space<vmem>>, vector<2000x128xf32>
    %add3A_8 = arith.addf %add3A, %get3A_7 : vector<2000x128xf32>
    %get3A_9 = arith.constant 0 : index
    %get3A_10 = arith.constant 0 : index
    %get3A_11 = vector.load %arg5[%get3A_9, %get3A_10] : memref<128x128xf32, #tpu.memory_space<vmem>>, vector<128x128xf32>
    %dot_general3A = arith.constant dense<0.000000e+00> : vector<2000x128xf32>
    %dot_general3A_12 = tpu.matmul %add3A_8, %get3A_11, %dot_general3A {dimension_numbers = #tpu.dot_dimension_numbers<[1], [0], [0], [1], [0, 0, 1, 1], [], []>, transpose_lhs_hint = false} : vector<2000x128xf32>, vector<128x128xf32>, vector<2000x128xf32> -> vector<2000x128xf32>
    %get3A_13 = arith.constant 0 : index
    %get3A_14 = arith.constant 0 : index
    %get3A_15 = vector.load %arg6[%get3A_13, %get3A_14] : memref<1x128xf32, #tpu.memory_space<vmem>>, vector<1x128xf32>
    %add3A_16 = vector.broadcast %get3A_15 : vector<1x128xf32> to vector<2000x128xf32>
    %add3A_17 = arith.addf %dot_general3A_12, %add3A_16 : vector<2000x128xf32>
    %max3A = arith.constant 0.000000e+00 : f32
    %max3A_18 = vector.broadcast %max3A : f32 to vector<2000x128xf32>
    %max3A_19 = arith.maximumf %add3A_17, %max3A_18 : vector<2000x128xf32>
    %get3A_20 = arith.constant 0 : index
    %get3A_21 = arith.constant 0 : index
    %get3A_22 = vector.load %arg7[%get3A_20, %get3A_21] : memref<128x128xf32, #tpu.memory_space<vmem>>, vector<128x128xf32>
    %dot_general3A_23 = arith.constant dense<0.000000e+00> : vector<2000x128xf32>
    %dot_general3A_24 = tpu.matmul %max3A_19, %get3A_22, %dot_general3A_23 {dimension_numbers = #tpu.dot_dimension_numbers<[1], [0], [0], [1], [0, 0, 1, 1], [], []>, transpose_lhs_hint = false} : vector<2000x128xf32>, vector<128x128xf32>, vector<2000x128xf32> -> vector<2000x128xf32>
    %get3A_25 = arith.constant 0 : index
    %get3A_26 = arith.constant 0 : index
    %get3A_27 = vector.load %arg8[%get3A_25, %get3A_26] : memref<1x128xf32, #tpu.memory_space<vmem>>, vector<1x128xf32>
    %add3A_28 = vector.broadcast %get3A_27 : vector<1x128xf32> to vector<2000x128xf32>
    %add3A_29 = arith.addf %dot_general3A_24, %add3A_28 : vector<2000x128xf32>
    %max3A_30 = arith.constant 0.000000e+00 : f32
    %max3A_31 = vector.broadcast %max3A_30 : f32 to vector<2000x128xf32>
    %max3A_32 = arith.maximumf %add3A_29, %max3A_31 : vector<2000x128xf32>
    %get3A_33 = arith.constant 0 : index
    %get3A_34 = arith.constant 0 : index
    %get3A_35 = vector.load %arg9[%get3A_33, %get3A_34] : memref<1x128xf32, #tpu.memory_space<vmem>>, vector<1x128xf32>
    %mul3A = vector.broadcast %get3A_35 : vector<1x128xf32> to vector<2000x128xf32>
    %mul3A_36 = arith.mulf %max3A_32, %mul3A : vector<2000x128xf32>
    %get3A_37 = arith.constant 0 : index
    %get3A_38 = arith.constant 0 : index
    %get3A_39 = vector.load %arg10[%get3A_37, %get3A_38] : memref<1x128xf32, #tpu.memory_space<vmem>>, vector<1x128xf32>
    %add3A_40 = vector.broadcast %get3A_39 : vector<1x128xf32> to vector<2000x128xf32>
    %add3A_41 = arith.addf %mul3A_36, %add3A_40 : vector<2000x128xf32>
    %get3A_42 = arith.constant 0 : index
    %get3A_43 = arith.constant 0 : index
    %get3A_44 = arith.constant 0 : index
    %get3A_45 = vector.load %arg4[%get3A_42, %get3A_43, %get3A_44] : memref<1x1x2000xi32, #tpu.memory_space<vmem>>, vector<1x1x2000xi32>
    %get3A_46 = vector.shape_cast %get3A_45 : vector<1x1x2000xi32> to vector<2000xi32>
    %iota3A = tpu.iota {dimensions = array<i32: 0>} : vector<64x2000xi32>
    %broadcast_in_dim3A = vector.shape_cast %get3A_46 : vector<2000xi32> to vector<1x2000xi32>
    %eq3A = vector.broadcast %broadcast_in_dim3A : vector<1x2000xi32> to vector<64x2000xi32>
    %eq3A_47 = arith.cmpi eq, %iota3A, %eq3A : vector<64x2000xi32>
    %convert_element_type3A = arith.extui %eq3A_47 : vector<64x2000xi1> to vector<64x2000xi32>
    %convert_element_type3A_48 = arith.sitofp %convert_element_type3A : vector<64x2000xi32> to vector<64x2000xf32>
    %eq3A_49 = arith.constant 0 : i32
    %eq3A_50 = arith.cmpi eq, %arg0, %eq3A_49 : i32
    %convert_element_type3A_51 = arith.extui %eq3A_50 : i1 to i32
    %cond3A = arith.constant 0 : i32
    %cond3A_52 = arith.cmpi ne, %convert_element_type3A_51, %cond3A : i32
    scf.if %cond3A_52 {
      %broadcast_in_dim3A_75 = arith.constant 0.000000e+00 : f32
      %broadcast_in_dim3A_76 = vector.broadcast %broadcast_in_dim3A_75 : f32 to vector<64x128xf32>
      %swap3A_77 = arith.constant 0 : index
      %swap3A_78 = arith.constant 0 : index
      %swap3A_79 = vector.load %arg12[%swap3A_77, %swap3A_78] : memref<64x128xf32, #tpu.memory_space<vmem>>, vector<64x128xf32>
      tpu.vector_store %arg12[%swap3A_77, %swap3A_78], %broadcast_in_dim3A_76 {strides = array<i32>} : memref<64x128xf32, #tpu.memory_space<vmem>>, vector<64x128xf32>,
      %broadcast_in_dim3A_80 = arith.constant 0.000000e+00 : f32
      %broadcast_in_dim3A_81 = vector.broadcast %broadcast_in_dim3A_80 : f32 to vector<64x128xf32>
      %swap3A_82 = arith.constant 0 : index
      %swap3A_83 = arith.constant 0 : index
      %swap3A_84 = vector.load %arg13[%swap3A_82, %swap3A_83] : memref<64x128xf32, #tpu.memory_space<vmem>>, vector<64x128xf32>
      tpu.vector_store %arg13[%swap3A_82, %swap3A_83], %broadcast_in_dim3A_81 {strides = array<i32>} : memref<64x128xf32, #tpu.memory_space<vmem>>, vector<64x128xf32>,
    } else {
    }
    %get3A_53 = arith.constant 0 : index
    %get3A_54 = arith.constant 0 : index
    %get3A_55 = vector.load %arg12[%get3A_53, %get3A_54] : memref<64x128xf32, #tpu.memory_space<vmem>>, vector<64x128xf32>
    %dot_general3A_56 = arith.constant dense<0.000000e+00> : vector<64x128xf32>
    %dot_general3A_57 = tpu.matmul %convert_element_type3A_48, %add3A_41, %dot_general3A_56 {dimension_numbers = #tpu.dot_dimension_numbers<[1], [0], [0], [1], [0, 0, 1, 1], [], []>, transpose_lhs_hint = false} : vector<64x2000xf32>, vector<2000x128xf32>, vector<64x128xf32> -> vector<64x128xf32>
    %add3A_58 = arith.addf %get3A_55, %dot_general3A_57 : vector<64x128xf32>
    %swap3A = arith.constant 0 : index
    %swap3A_59 = arith.constant 0 : index
    %swap3A_60 = vector.load %arg12[%swap3A, %swap3A_59] : memref<64x128xf32, #tpu.memory_space<vmem>>, vector<64x128xf32>
    tpu.vector_store %arg12[%swap3A, %swap3A_59], %add3A_58 {strides = array<i32>} : memref<64x128xf32, #tpu.memory_space<vmem>>, vector<64x128xf32>,
    %get3A_61 = arith.constant 0 : index
    %get3A_62 = arith.constant 0 : index
    %get3A_63 = vector.load %arg13[%get3A_61, %get3A_62] : memref<64x128xf32, #tpu.memory_space<vmem>>, vector<64x128xf32>
    %reduce_sum3A = arith.constant dense<0.000000e+00> : vector<64xf32>
    %reduce_sum3A_64 = vector.multi_reduction <add>, %convert_element_type3A_48, %reduce_sum3A [1] : vector<64x2000xf32> to vector<64xf32>
    %broadcast_in_dim3A_65 = vector.shape_cast %reduce_sum3A_64 : vector<64xf32> to vector<64x1xf32>
    %broadcast_in_dim3A_66 = vector.shape_cast %broadcast_in_dim3A_65 : vector<64x1xf32> to vector<64x1xf32>
    %broadcast_in_dim3A_67 = vector.broadcast %broadcast_in_dim3A_66 : vector<64x1xf32> to vector<64x128xf32>
    %add3A_68 = arith.addf %get3A_63, %broadcast_in_dim3A_67 : vector<64x128xf32>
    %swap3A_69 = arith.constant 0 : index
    %swap3A_70 = arith.constant 0 : index
    %swap3A_71 = vector.load %arg13[%swap3A_69, %swap3A_70] : memref<64x128xf32, #tpu.memory_space<vmem>>, vector<64x128xf32>
    tpu.vector_store %arg13[%swap3A_69, %swap3A_70], %add3A_68 {strides = array<i32>} : memref<64x128xf32, #tpu.memory_space<vmem>>, vector<64x128xf32>,
    %swap3A_72 = arith.constant 0 : index
    %swap3A_73 = arith.constant 0 : index
    %swap3A_74 = vector.load %arg11[%swap3A_72, %swap3A_73] : memref<2000x128xf32, #tpu.memory_space<vmem>>, vector<2000x128xf32>
    tpu.vector_store %arg11[%swap3A_72, %swap3A_73], %add3A_41 {strides = array<i32>} : memref<2000x128xf32, #tpu.memory_space<vmem>>, vector<2000x128xf32>,
    return
  }
  func.func @transform_0(%arg0: i32) -> (i32, i32) {
    %c0_i32 = arith.constant 0 : i32
    %c0_i32_0 = arith.constant 0 : i32
    return %arg0, %c0_i32 : i32, i32
  }
  func.func @transform_1(%arg0: i32) -> (i32, i32) {
    %c0_i32 = arith.constant 0 : i32
    %c0_i32_0 = arith.constant 0 : i32
    return %arg0, %c0_i32 : i32, i32
  }
  func.func @transform_2(%arg0: i32) -> (i32, i32) {
    %c0_i32 = arith.constant 0 : i32
    %c0_i32_0 = arith.constant 0 : i32
    return %arg0, %c0_i32 : i32, i32
  }
  func.func @transform_3(%arg0: i32) -> (i32, i32, i32) {
    %c0_i32 = arith.constant 0 : i32
    %c0_i32_0 = arith.constant 0 : i32
    %c0_i32_1 = arith.constant 0 : i32
    return %arg0, %c0_i32, %c0_i32_0 : i32, i32, i32
  }
  func.func @transform_4(%arg0: i32) -> (i32, i32) {
    %c0_i32 = arith.constant 0 : i32
    %c0_i32_0 = arith.constant 0 : i32
    %c0_i32_1 = arith.constant 0 : i32
    return %c0_i32, %c0_i32_0 : i32, i32
  }
  func.func @transform_5(%arg0: i32) -> (i32, i32) {
    %c0_i32 = arith.constant 0 : i32
    %c0_i32_0 = arith.constant 0 : i32
    %c0_i32_1 = arith.constant 0 : i32
    return %c0_i32, %c0_i32_0 : i32, i32
  }
  func.func @transform_6(%arg0: i32) -> (i32, i32) {
    %c0_i32 = arith.constant 0 : i32
    %c0_i32_0 = arith.constant 0 : i32
    %c0_i32_1 = arith.constant 0 : i32
    return %c0_i32, %c0_i32_0 : i32, i32
  }
  func.func @transform_7(%arg0: i32) -> (i32, i32) {
    %c0_i32 = arith.constant 0 : i32
    %c0_i32_0 = arith.constant 0 : i32
    %c0_i32_1 = arith.constant 0 : i32
    return %c0_i32, %c0_i32_0 : i32, i32
  }
  func.func @transform_8(%arg0: i32) -> (i32, i32) {
    %c0_i32 = arith.constant 0 : i32
    %c0_i32_0 = arith.constant 0 : i32
    %c0_i32_1 = arith.constant 0 : i32
    return %c0_i32, %c0_i32_0 : i32, i32
  }
  func.func @transform_9(%arg0: i32) -> (i32, i32) {
    %c0_i32 = arith.constant 0 : i32
    %c0_i32_0 = arith.constant 0 : i32
    %c0_i32_1 = arith.constant 0 : i32
    return %c0_i32, %c0_i32_0 : i32, i32
  }
  func.func @transform_10(%arg0: i32) -> (i32, i32) {
    %c0_i32 = arith.constant 0 : i32
    %c0_i32_0 = arith.constant 0 : i32
    return %arg0, %c0_i32 : i32, i32
  }
  func.func @transform_11(%arg0: i32) -> (i32, i32) {
    %c0_i32 = arith.constant 0 : i32
    %c0_i32_0 = arith.constant 0 : i32
    %c0_i32_1 = arith.constant 0 : i32
    return %c0_i32, %c0_i32_0 : i32, i32
  }
  func.func @transform_12(%arg0: i32) -> (i32, i32) {
    %c0_i32 = arith.constant 0 : i32
    %c0_i32_0 = arith.constant 0 : i32
    %c0_i32_1 = arith.constant 0 : i32
    return %c0_i32, %c0_i32_0 : i32, i32
  }
}

module attributes {stable_mosaic.version = 14 : i64} {
  func.func @_mlp_head_body(%arg0: i32, %arg1: memref<2000x128xf32, #tpu.memory_space<vmem>>, %arg2: memref<2000x128xf32, #tpu.memory_space<vmem>>, %arg3: memref<2000x128xf32, #tpu.memory_space<vmem>>, %arg4: memref<1x1x2000xi32, #tpu.memory_space<vmem>>, %arg5: memref<128x128xf32, #tpu.memory_space<vmem>>, %arg6: memref<1x128xf32, #tpu.memory_space<vmem>>, %arg7: memref<128x128xf32, #tpu.memory_space<vmem>>, %arg8: memref<1x128xf32, #tpu.memory_space<vmem>>, %arg9: memref<1x128xf32, #tpu.memory_space<vmem>>, %arg10: memref<1x128xf32, #tpu.memory_space<vmem>>, %arg11: memref<64x128xf32, #tpu.memory_space<vmem>>, %arg12: memref<64x128xf32, #tpu.memory_space<vmem>>, %arg13: memref<64x128xf32, #tpu.memory_space<vmem>>, %arg14: memref<384x128xf32, #tpu.memory_space<vmem>>, %arg15: memref<1x128xf32, #tpu.memory_space<vmem>>, %arg16: memref<128x128xf32, #tpu.memory_space<vmem>>, %arg17: memref<1x128xf32, #tpu.memory_space<vmem>>, %arg18: memref<64x128xf32, #tpu.memory_space<vmem>>, %arg19: memref<64x128xf32, #tpu.memory_space<vmem>>, %arg20: memref<64x128xf32, #tpu.memory_space<vmem>>) attributes {dimension_semantics = [#tpu.dimension_semantics<arbitrary>], iteration_bounds = array<i64: 5>, scalar_prefetch = 0 : i64, scratch_operands = 0 : i64, tpu.core_type = #tpu.core_type<tc>, window_params = [{transform_indices = @transform_0, window_bounds = array<i64: 2000, 128>}, {transform_indices = @transform_1, window_bounds = array<i64: 2000, 128>}, {transform_indices = @transform_2, window_bounds = array<i64: 2000, 128>}, {transform_indices = @transform_3, window_bounds = array<i64: 1, 1, 2000>}, {pipeline_mode = #tpu.pipeline_mode<synchronous>, transform_indices = @transform_4, window_bounds = array<i64: 128, 128>}, {pipeline_mode = #tpu.pipeline_mode<synchronous>, transform_indices = @transform_5, window_bounds = array<i64: 1, 128>}, {pipeline_mode = #tpu.pipeline_mode<synchronous>, transform_indices = @transform_6, window_bounds = array<i64: 128, 128>}, {pipeline_mode = #tpu.pipeline_mode<synchronous>, transform_indices = @transform_7, window_bounds = array<i64: 1, 128>}, {pipeline_mode = #tpu.pipeline_mode<synchronous>, transform_indices = @transform_8, window_bounds = array<i64: 1, 128>}, {pipeline_mode = #tpu.pipeline_mode<synchronous>, transform_indices = @transform_9, window_bounds = array<i64: 1, 128>}, {pipeline_mode = #tpu.pipeline_mode<synchronous>, transform_indices = @transform_10, window_bounds = array<i64: 64, 128>}, {pipeline_mode = #tpu.pipeline_mode<synchronous>, transform_indices = @transform_11, window_bounds = array<i64: 64, 128>}, {pipeline_mode = #tpu.pipeline_mode<synchronous>, transform_indices = @transform_12, window_bounds = array<i64: 64, 128>}, {pipeline_mode = #tpu.pipeline_mode<synchronous>, transform_indices = @transform_13, window_bounds = array<i64: 384, 128>}, {pipeline_mode = #tpu.pipeline_mode<synchronous>, transform_indices = @transform_14, window_bounds = array<i64: 1, 128>}, {pipeline_mode = #tpu.pipeline_mode<synchronous>, transform_indices = @transform_15, window_bounds = array<i64: 128, 128>}, {pipeline_mode = #tpu.pipeline_mode<synchronous>, transform_indices = @transform_16, window_bounds = array<i64: 1, 128>}, {pipeline_mode = #tpu.pipeline_mode<synchronous>, transform_indices = @transform_17, window_bounds = array<i64: 64, 128>}, {pipeline_mode = #tpu.pipeline_mode<synchronous>, transform_indices = @transform_18, window_bounds = array<i64: 64, 128>}, {pipeline_mode = #tpu.pipeline_mode<synchronous>, transform_indices = @transform_19, window_bounds = array<i64: 64, 128>}]} {
    %get3A = arith.constant 0 : index
    %get3A_0 = arith.constant 0 : index
    %get3A_1 = vector.load %arg1[%get3A, %get3A_0] : memref<2000x128xf32, #tpu.memory_space<vmem>>, vector<2000x128xf32>
    %get3A_2 = arith.constant 0 : index
    %get3A_3 = arith.constant 0 : index
    %get3A_4 = vector.load %arg2[%get3A_2, %get3A_3] : memref<2000x128xf32, #tpu.memory_space<vmem>>, vector<2000x128xf32>
    %add3A = arith.addf %get3A_1, %get3A_4 : vector<2000x128xf32>
    %get3A_5 = arith.constant 0 : index
    %get3A_6 = arith.constant 0 : index
    %get3A_7 = vector.load %arg3[%get3A_5, %get3A_6] : memref<2000x128xf32, #tpu.memory_space<vmem>>, vector<2000x128xf32>
    %add3A_8 = arith.addf %add3A, %get3A_7 : vector<2000x128xf32>
    %get3A_9 = arith.constant 0 : index
    %get3A_10 = arith.constant 0 : index
    %get3A_11 = vector.load %arg5[%get3A_9, %get3A_10] : memref<128x128xf32, #tpu.memory_space<vmem>>, vector<128x128xf32>
    %dot_general3A = arith.constant dense<0.000000e+00> : vector<2000x128xf32>
    %dot_general3A_12 = tpu.matmul %add3A_8, %get3A_11, %dot_general3A {dimension_numbers = #tpu.dot_dimension_numbers<[1], [0], [0], [1], [0, 0, 1, 1], [], []>, transpose_lhs_hint = false} : vector<2000x128xf32>, vector<128x128xf32>, vector<2000x128xf32> -> vector<2000x128xf32>
    %get3A_13 = arith.constant 0 : index
    %get3A_14 = arith.constant 0 : index
    %get3A_15 = vector.load %arg6[%get3A_13, %get3A_14] : memref<1x128xf32, #tpu.memory_space<vmem>>, vector<1x128xf32>
    %add3A_16 = vector.broadcast %get3A_15 : vector<1x128xf32> to vector<2000x128xf32>
    %add3A_17 = arith.addf %dot_general3A_12, %add3A_16 : vector<2000x128xf32>
    %max3A = arith.constant 0.000000e+00 : f32
    %max3A_18 = vector.broadcast %max3A : f32 to vector<2000x128xf32>
    %max3A_19 = arith.maximumf %add3A_17, %max3A_18 : vector<2000x128xf32>
    %get3A_20 = arith.constant 0 : index
    %get3A_21 = arith.constant 0 : index
    %get3A_22 = vector.load %arg7[%get3A_20, %get3A_21] : memref<128x128xf32, #tpu.memory_space<vmem>>, vector<128x128xf32>
    %dot_general3A_23 = arith.constant dense<0.000000e+00> : vector<2000x128xf32>
    %dot_general3A_24 = tpu.matmul %max3A_19, %get3A_22, %dot_general3A_23 {dimension_numbers = #tpu.dot_dimension_numbers<[1], [0], [0], [1], [0, 0, 1, 1], [], []>, transpose_lhs_hint = false} : vector<2000x128xf32>, vector<128x128xf32>, vector<2000x128xf32> -> vector<2000x128xf32>
    %get3A_25 = arith.constant 0 : index
    %get3A_26 = arith.constant 0 : index
    %get3A_27 = vector.load %arg8[%get3A_25, %get3A_26] : memref<1x128xf32, #tpu.memory_space<vmem>>, vector<1x128xf32>
    %add3A_28 = vector.broadcast %get3A_27 : vector<1x128xf32> to vector<2000x128xf32>
    %add3A_29 = arith.addf %dot_general3A_24, %add3A_28 : vector<2000x128xf32>
    %max3A_30 = arith.constant 0.000000e+00 : f32
    %max3A_31 = vector.broadcast %max3A_30 : f32 to vector<2000x128xf32>
    %max3A_32 = arith.maximumf %add3A_29, %max3A_31 : vector<2000x128xf32>
    %get3A_33 = arith.constant 0 : index
    %get3A_34 = arith.constant 0 : index
    %get3A_35 = vector.load %arg9[%get3A_33, %get3A_34] : memref<1x128xf32, #tpu.memory_space<vmem>>, vector<1x128xf32>
    %mul3A = vector.broadcast %get3A_35 : vector<1x128xf32> to vector<2000x128xf32>
    %mul3A_36 = arith.mulf %max3A_32, %mul3A : vector<2000x128xf32>
    %get3A_37 = arith.constant 0 : index
    %get3A_38 = arith.constant 0 : index
    %get3A_39 = vector.load %arg10[%get3A_37, %get3A_38] : memref<1x128xf32, #tpu.memory_space<vmem>>, vector<1x128xf32>
    %add3A_40 = vector.broadcast %get3A_39 : vector<1x128xf32> to vector<2000x128xf32>
    %add3A_41 = arith.addf %mul3A_36, %add3A_40 : vector<2000x128xf32>
    %get3A_42 = arith.constant 0 : index
    %get3A_43 = arith.constant 0 : index
    %get3A_44 = arith.constant 0 : index
    %get3A_45 = vector.load %arg4[%get3A_42, %get3A_43, %get3A_44] : memref<1x1x2000xi32, #tpu.memory_space<vmem>>, vector<1x1x2000xi32>
    %get3A_46 = vector.shape_cast %get3A_45 : vector<1x1x2000xi32> to vector<2000xi32>
    %iota3A = tpu.iota {dimensions = array<i32: 0>} : vector<64x2000xi32>
    %broadcast_in_dim3A = vector.shape_cast %get3A_46 : vector<2000xi32> to vector<1x2000xi32>
    %eq3A = vector.broadcast %broadcast_in_dim3A : vector<1x2000xi32> to vector<64x2000xi32>
    %eq3A_47 = arith.cmpi eq, %iota3A, %eq3A : vector<64x2000xi32>
    %convert_element_type3A = arith.extui %eq3A_47 : vector<64x2000xi1> to vector<64x2000xi32>
    %convert_element_type3A_48 = arith.sitofp %convert_element_type3A : vector<64x2000xi32> to vector<64x2000xf32>
    %eq3A_49 = arith.constant 0 : i32
    %eq3A_50 = arith.cmpi eq, %arg0, %eq3A_49 : i32
    %convert_element_type3A_51 = arith.extui %eq3A_50 : i1 to i32
    %cond3A = arith.constant 0 : i32
    %cond3A_52 = arith.cmpi ne, %convert_element_type3A_51, %cond3A : i32
    scf.if %cond3A_52 {
      %broadcast_in_dim3A_77 = arith.constant 0.000000e+00 : f32
      %broadcast_in_dim3A_78 = vector.broadcast %broadcast_in_dim3A_77 : f32 to vector<64x128xf32>
      %swap3A_79 = arith.constant 0 : index
      %swap3A_80 = arith.constant 0 : index
      %swap3A_81 = vector.load %arg19[%swap3A_79, %swap3A_80] : memref<64x128xf32, #tpu.memory_space<vmem>>, vector<64x128xf32>
      tpu.vector_store %arg19[%swap3A_79, %swap3A_80], %broadcast_in_dim3A_78 {strides = array<i32>} : memref<64x128xf32, #tpu.memory_space<vmem>>, vector<64x128xf32>,
      %broadcast_in_dim3A_82 = arith.constant 0.000000e+00 : f32
      %broadcast_in_dim3A_83 = vector.broadcast %broadcast_in_dim3A_82 : f32 to vector<64x128xf32>
      %swap3A_84 = arith.constant 0 : index
      %swap3A_85 = arith.constant 0 : index
      %swap3A_86 = vector.load %arg20[%swap3A_84, %swap3A_85] : memref<64x128xf32, #tpu.memory_space<vmem>>, vector<64x128xf32>
      tpu.vector_store %arg20[%swap3A_84, %swap3A_85], %broadcast_in_dim3A_83 {strides = array<i32>} : memref<64x128xf32, #tpu.memory_space<vmem>>, vector<64x128xf32>,
    } else {
    }
    %get3A_53 = arith.constant 0 : index
    %get3A_54 = arith.constant 0 : index
    %get3A_55 = vector.load %arg19[%get3A_53, %get3A_54] : memref<64x128xf32, #tpu.memory_space<vmem>>, vector<64x128xf32>
    %dot_general3A_56 = arith.constant dense<0.000000e+00> : vector<64x128xf32>
    %dot_general3A_57 = tpu.matmul %convert_element_type3A_48, %add3A_41, %dot_general3A_56 {dimension_numbers = #tpu.dot_dimension_numbers<[1], [0], [0], [1], [0, 0, 1, 1], [], []>, transpose_lhs_hint = false} : vector<64x2000xf32>, vector<2000x128xf32>, vector<64x128xf32> -> vector<64x128xf32>
    %add3A_58 = arith.addf %get3A_55, %dot_general3A_57 : vector<64x128xf32>
    %swap3A = arith.constant 0 : index
    %swap3A_59 = arith.constant 0 : index
    %swap3A_60 = vector.load %arg19[%swap3A, %swap3A_59] : memref<64x128xf32, #tpu.memory_space<vmem>>, vector<64x128xf32>
    tpu.vector_store %arg19[%swap3A, %swap3A_59], %add3A_58 {strides = array<i32>} : memref<64x128xf32, #tpu.memory_space<vmem>>, vector<64x128xf32>,
    %get3A_61 = arith.constant 0 : index
    %get3A_62 = arith.constant 0 : index
    %get3A_63 = vector.load %arg20[%get3A_61, %get3A_62] : memref<64x128xf32, #tpu.memory_space<vmem>>, vector<64x128xf32>
    %reduce_sum3A = arith.constant dense<0.000000e+00> : vector<64xf32>
    %reduce_sum3A_64 = vector.multi_reduction <add>, %convert_element_type3A_48, %reduce_sum3A [1] : vector<64x2000xf32> to vector<64xf32>
    %broadcast_in_dim3A_65 = vector.shape_cast %reduce_sum3A_64 : vector<64xf32> to vector<64x1xf32>
    %broadcast_in_dim3A_66 = vector.shape_cast %broadcast_in_dim3A_65 : vector<64x1xf32> to vector<64x1xf32>
    %broadcast_in_dim3A_67 = vector.broadcast %broadcast_in_dim3A_66 : vector<64x1xf32> to vector<64x128xf32>
    %add3A_68 = arith.addf %get3A_63, %broadcast_in_dim3A_67 : vector<64x128xf32>
    %swap3A_69 = arith.constant 0 : index
    %swap3A_70 = arith.constant 0 : index
    %swap3A_71 = vector.load %arg20[%swap3A_69, %swap3A_70] : memref<64x128xf32, #tpu.memory_space<vmem>>, vector<64x128xf32>
    tpu.vector_store %arg20[%swap3A_69, %swap3A_70], %add3A_68 {strides = array<i32>} : memref<64x128xf32, #tpu.memory_space<vmem>>, vector<64x128xf32>,
    %eq3A_72 = arith.constant 4 : i32
    %eq3A_73 = arith.cmpi eq, %arg0, %eq3A_72 : i32
    %convert_element_type3A_74 = arith.extui %eq3A_73 : i1 to i32
    %cond3A_75 = arith.constant 0 : i32
    %cond3A_76 = arith.cmpi ne, %convert_element_type3A_74, %cond3A_75 : i32
    scf.if %cond3A_76 {
      %get3A_77 = arith.constant 0 : index
      %get3A_78 = arith.constant 0 : index
      %get3A_79 = vector.load %arg13[%get3A_77, %get3A_78] : memref<64x128xf32, #tpu.memory_space<vmem>>, vector<64x128xf32>
      %max3A_80 = arith.constant 1.000000e+00 : f32
      %max3A_81 = vector.broadcast %max3A_80 : f32 to vector<64x128xf32>
      %max3A_82 = arith.maximumf %get3A_79, %max3A_81 : vector<64x128xf32>
      %div3A = arith.constant 1.000000e+00 : f32
      %div3A_83 = vector.broadcast %div3A : f32 to vector<64x128xf32>
      %div3A_84 = arith.divf %div3A_83, %max3A_82 : vector<64x128xf32>
      %get3A_85 = arith.constant 0 : index
      %get3A_86 = arith.constant 0 : index
      %get3A_87 = vector.load %arg11[%get3A_85, %get3A_86] : memref<64x128xf32, #tpu.memory_space<vmem>>, vector<64x128xf32>
      %mul3A_88 = arith.mulf %get3A_87, %div3A_84 : vector<64x128xf32>
      %get3A_89 = arith.constant 0 : index
      %get3A_90 = arith.constant 0 : index
      %get3A_91 = vector.load %arg12[%get3A_89, %get3A_90] : memref<64x128xf32, #tpu.memory_space<vmem>>, vector<64x128xf32>
      %mul3A_92 = arith.mulf %get3A_91, %div3A_84 : vector<64x128xf32>
      %get3A_93 = arith.constant 0 : index
      %get3A_94 = arith.constant 0 : index
      %get3A_95 = vector.load %arg19[%get3A_93, %get3A_94] : memref<64x128xf32, #tpu.memory_space<vmem>>, vector<64x128xf32>
      %mul3A_96 = arith.mulf %get3A_95, %div3A_84 : vector<64x128xf32>
      %concatenate3A = tpu.concatenate %mul3A_88, %mul3A_92, %mul3A_96 in 1 : vector<64x128xf32>, vector<64x128xf32>, vector<64x128xf32> -> vector<64x384xf32>
      %get3A_97 = arith.constant 0 : index
      %get3A_98 = arith.constant 0 : index
      %get3A_99 = vector.load %arg14[%get3A_97, %get3A_98] : memref<384x128xf32, #tpu.memory_space<vmem>>, vector<384x128xf32>
      %dot_general3A_100 = arith.constant dense<0.000000e+00> : vector<64x128xf32>
      %dot_general3A_101 = tpu.matmul %concatenate3A, %get3A_99, %dot_general3A_100 {dimension_numbers = #tpu.dot_dimension_numbers<[1], [0], [0], [1], [0, 0, 1, 1], [], []>, transpose_lhs_hint = false} : vector<64x384xf32>, vector<384x128xf32>, vector<64x128xf32> -> vector<64x128xf32>
      %get3A_102 = arith.constant 0 : index
      %get3A_103 = arith.constant 0 : index
      %get3A_104 = vector.load %arg15[%get3A_102, %get3A_103] : memref<1x128xf32, #tpu.memory_space<vmem>>, vector<1x128xf32>
      %add3A_105 = vector.broadcast %get3A_104 : vector<1x128xf32> to vector<64x128xf32>
      %add3A_106 = arith.addf %dot_general3A_101, %add3A_105 : vector<64x128xf32>
      %max3A_107 = arith.constant 0.000000e+00 : f32
      %max3A_108 = vector.broadcast %max3A_107 : f32 to vector<64x128xf32>
      %max3A_109 = arith.maximumf %add3A_106, %max3A_108 : vector<64x128xf32>
      %get3A_110 = arith.constant 0 : index
      %get3A_111 = arith.constant 0 : index
      %get3A_112 = vector.load %arg16[%get3A_110, %get3A_111] : memref<128x128xf32, #tpu.memory_space<vmem>>, vector<128x128xf32>
      %dot_general3A_113 = arith.constant dense<0.000000e+00> : vector<64x128xf32>
      %dot_general3A_114 = tpu.matmul %max3A_109, %get3A_112, %dot_general3A_113 {dimension_numbers = #tpu.dot_dimension_numbers<[1], [0], [0], [1], [0, 0, 1, 1], [], []>, transpose_lhs_hint = false} : vector<64x128xf32>, vector<128x128xf32>, vector<64x128xf32> -> vector<64x128xf32>
      %get3A_115 = arith.constant 0 : index
      %get3A_116 = arith.constant 0 : index
      %get3A_117 = vector.load %arg17[%get3A_115, %get3A_116] : memref<1x128xf32, #tpu.memory_space<vmem>>, vector<1x128xf32>
      %add3A_118 = vector.broadcast %get3A_117 : vector<1x128xf32> to vector<64x128xf32>
      %add3A_119 = arith.addf %dot_general3A_114, %add3A_118 : vector<64x128xf32>
      %swap3A_120 = arith.constant 0 : index
      %swap3A_121 = arith.constant 0 : index
      %swap3A_122 = vector.load %arg18[%swap3A_120, %swap3A_121] : memref<64x128xf32, #tpu.memory_space<vmem>>, vector<64x128xf32>
      tpu.vector_store %arg18[%swap3A_120, %swap3A_121], %add3A_119 {strides = array<i32>} : memref<64x128xf32, #tpu.memory_space<vmem>>, vector<64x128xf32>,
    } else {
    }
    return
  }
  func.func @transform_0(%arg0: i32) -> (i32, i32) {
    %c0_i32 = arith.constant 0 : i32
    %c0_i32_0 = arith.constant 0 : i32
    return %arg0, %c0_i32 : i32, i32
  }
  func.func @transform_1(%arg0: i32) -> (i32, i32) {
    %c0_i32 = arith.constant 0 : i32
    %c0_i32_0 = arith.constant 0 : i32
    return %arg0, %c0_i32 : i32, i32
  }
  func.func @transform_2(%arg0: i32) -> (i32, i32) {
    %c0_i32 = arith.constant 0 : i32
    %c0_i32_0 = arith.constant 0 : i32
    return %arg0, %c0_i32 : i32, i32
  }
  func.func @transform_3(%arg0: i32) -> (i32, i32, i32) {
    %c0_i32 = arith.constant 0 : i32
    %c0_i32_0 = arith.constant 0 : i32
    %c0_i32_1 = arith.constant 0 : i32
    return %arg0, %c0_i32, %c0_i32_0 : i32, i32, i32
  }
  func.func @transform_4(%arg0: i32) -> (i32, i32) {
    %c0_i32 = arith.constant 0 : i32
    %c0_i32_0 = arith.constant 0 : i32
    %c0_i32_1 = arith.constant 0 : i32
    return %c0_i32, %c0_i32_0 : i32, i32
  }
  func.func @transform_5(%arg0: i32) -> (i32, i32) {
    %c0_i32 = arith.constant 0 : i32
    %c0_i32_0 = arith.constant 0 : i32
    %c0_i32_1 = arith.constant 0 : i32
    return %c0_i32, %c0_i32_0 : i32, i32
  }
  func.func @transform_6(%arg0: i32) -> (i32, i32) {
    %c0_i32 = arith.constant 0 : i32
    %c0_i32_0 = arith.constant 0 : i32
    %c0_i32_1 = arith.constant 0 : i32
    return %c0_i32, %c0_i32_0 : i32, i32
  }
  func.func @transform_7(%arg0: i32) -> (i32, i32) {
    %c0_i32 = arith.constant 0 : i32
    %c0_i32_0 = arith.constant 0 : i32
    %c0_i32_1 = arith.constant 0 : i32
    return %c0_i32, %c0_i32_0 : i32, i32
  }
  func.func @transform_8(%arg0: i32) -> (i32, i32) {
    %c0_i32 = arith.constant 0 : i32
    %c0_i32_0 = arith.constant 0 : i32
    %c0_i32_1 = arith.constant 0 : i32
    return %c0_i32, %c0_i32_0 : i32, i32
  }
  func.func @transform_9(%arg0: i32) -> (i32, i32) {
    %c0_i32 = arith.constant 0 : i32
    %c0_i32_0 = arith.constant 0 : i32
    %c0_i32_1 = arith.constant 0 : i32
    return %c0_i32, %c0_i32_0 : i32, i32
  }
  func.func @transform_10(%arg0: i32) -> (i32, i32) {
    %c0_i32 = arith.constant 0 : i32
    %c0_i32_0 = arith.constant 0 : i32
    %c0_i32_1 = arith.constant 0 : i32
    return %c0_i32, %c0_i32_0 : i32, i32
  }
  func.func @transform_11(%arg0: i32) -> (i32, i32) {
    %c0_i32 = arith.constant 0 : i32
    %c0_i32_0 = arith.constant 0 : i32
    %c0_i32_1 = arith.constant 0 : i32
    return %c0_i32, %c0_i32_0 : i32, i32
  }
  func.func @transform_12(%arg0: i32) -> (i32, i32) {
    %c0_i32 = arith.constant 0 : i32
    %c0_i32_0 = arith.constant 0 : i32
    %c0_i32_1 = arith.constant 0 : i32
    return %c0_i32, %c0_i32_0 : i32, i32
  }
  func.func @transform_13(%arg0: i32) -> (i32, i32) {
    %c0_i32 = arith.constant 0 : i32
    %c0_i32_0 = arith.constant 0 : i32
    %c0_i32_1 = arith.constant 0 : i32
    return %c0_i32, %c0_i32_0 : i32, i32
  }
  func.func @transform_14(%arg0: i32) -> (i32, i32) {
    %c0_i32 = arith.constant 0 : i32
    %c0_i32_0 = arith.constant 0 : i32
    %c0_i32_1 = arith.constant 0 : i32
    return %c0_i32, %c0_i32_0 : i32, i32
  }
  func.func @transform_15(%arg0: i32) -> (i32, i32) {
    %c0_i32 = arith.constant 0 : i32
    %c0_i32_0 = arith.constant 0 : i32
    %c0_i32_1 = arith.constant 0 : i32
    return %c0_i32, %c0_i32_0 : i32, i32
  }
  func.func @transform_16(%arg0: i32) -> (i32, i32) {
    %c0_i32 = arith.constant 0 : i32
    %c0_i32_0 = arith.constant 0 : i32
    %c0_i32_1 = arith.constant 0 : i32
    return %c0_i32, %c0_i32_0 : i32, i32
  }
  func.func @transform_17(%arg0: i32) -> (i32, i32) {
    %c0_i32 = arith.constant 0 : i32
    %c0_i32_0 = arith.constant 0 : i32
    %c0_i32_1 = arith.constant 0 : i32
    return %c0_i32, %c0_i32_0 : i32, i32
  }
  func.func @transform_18(%arg0: i32) -> (i32, i32) {
    %c0_i32 = arith.constant 0 : i32
    %c0_i32_0 = arith.constant 0 : i32
    %c0_i32_1 = arith.constant 0 : i32
    return %c0_i32, %c0_i32_0 : i32, i32
  }
  func.func @transform_19(%arg0: i32) -> (i32, i32) {
    %c0_i32 = arith.constant 0 : i32
    %c0_i32_0 = arith.constant 0 : i32
    %c0_i32_1 = arith.constant 0 : i32
    return %c0_i32, %c0_i32_0 : i32, i32
  }
}

</mosaic_0001>

<sc_bundles>
// kernel: kernel.11.cloned.1.call-start
scs
__scs_entry_jumppad:
0x0: {  	(pc) =	sbr.rel $0x88, $3  }
0x1: {  	(tag) =	ssettag $0x0;
	lr =	simm.s32 $0x1  }
0x2: {  	[smem:$0x3F92] =	sst lr;
	_ =	strace $0xD0000000  }
0x3: {  	_ = 	snop  }
0x4: {  	_ = 	snop  }
0x5: {  	_ = 	snop  }
0x6: {  	_ = 	snop  }
0x7: {  	_ = 	snop  }
__scs_overlays_trampoline_lowered:
0x8: {  	[smem:$0x3FA1] =	sst s0  }
0x9: {  	[smem:$0x3FA2] =	sst s1  }
0xa: {  	[smem:$0x3FA3] =	sst s2  }
0xb: {  	[smem:$0x3FA4] =	sst s3  }
0xc: {  	[smem:$0x3FA5] =	sst s4  }
0xd: {  	[smem:$0x3FA6] =	sst s5  }
0xe: {  	[smem:$0x3FA7] =	sst s6  }
0xf: {  	[smem:$0x3FA8] =	sst s7  }
0x10: {  	[smem:$0x3FA9] =	sst s8  }
0x11: {  	[smem:$0x3FAA] =	sst s9;
	s0 =	simm.s32 @!p0 $0x0  }
0x12: {  	s1 =	sld [smem:$0x3F90];
	s0 =	simm.s32 @p0 $0x1  }
0x13: {  	[smem:$0x3FAB] =	sst s0;
	s0 =	simm.s32 @!p1 $0x0  }
0x14: {  	s2 =	sld [smem:$0x3F8F];
	s0 =	simm.s32 @p1 $0x1  }
0x15: {  	[smem:$0x3FAC] =	sst s0;
	s0 =	simm.s32 @!p2 $0x0  }
0x16: {  	s3 =	sld [smem:$0x3FDB];
	s0 =	simm.s32 @p2 $0x1  }
0x17: {  	s4 =	simm.s32 $0x1BF5;
	[smem:$0x3FAE] =	sst s0  }
0x18: {  	s0 =	sld [smem:$0x3F91];
	_ =	swait.ge [sflag:s4], $0x0  }
0x19: {  	s7 =	sld [smem:$0x3F92]  }
0x1a: {  	s8 =	sadd.s32 $0xFFFFE003, lr  }
0x1b: {  	s9 =	sadd.s32 $0xFFFFFEF7, lr;
	s5 =	simm.s32 $0xFFFFFFFF;
	p2 =	slt.u32 s8, $0xFFFFF086  }
0x1c: {  	p1 =	slt.u32 s9, $0xF7A;
	s5 =	simm.s32 @!p2 $0x0  }
0x1d: {  	s5 =	simm.s32 @p1 $0x1;
	p0 =	seq.s32 s7, s2  }
0x1e: {  	s7 =	smul.u32 @!p0 $0xF7A, s2;
	p2 =	seq.s32 @!p0 s5, $0x0  }
0x1f: {  	s9 =	smul.u32 $0xF7A, s1;
	s8 =	simm.s32 @!p0 $0x1BF5;
	p2 =	por !p2, p0  }
0x20: {  	[sflag:s8] =	ssyncset.s32 @!p0 $0xFFFFF086;
	s6 =	sadd.s32 @!p0 s3, s7;
	s7 =	simm.s32 @!p0 $0x108  }
0x21: {  	s3 =	sadd.s32 s3, s9;
	s6 =	sadd.s32 @!p0 $0x88, s6;
	s7 =	simm.s32 @p2 $0x1082  }
0x22: {  	[simem:s7], [sflag:s8] =	dma.local @!p0 [hbm:s6], $0xF7A  }
0x23: {  	s9 =	sor.u32 $0xD0000000, s2;
	s6 =	simm.s32 $0x108;
	_ =	swait.ge @!p0 [sflag:s8], $0x0  }
0x24: {  	s3 =	sadd.s32 $0x88, s3;
	s6 =	simm.s32 @!p1 $0x1082;
	[sflag:s4] =	ssyncset.s32 $0xFFFFF086  }
0x25: {  	[simem:s6], [sflag:s4] =	dma.local [hbm:s3], $0xF7A  }
0x26: {  	[smem:$0x3F92] =	sst s1;
	(tag) =	ssettag s2;
	_ =	strace s9  }
0x27: {  	s1 =	sld [smem:$0x3FA2]  }
0x28: {  	s2 =	sld [smem:$0x3FA3]  }
0x29: {  	s4 =	sld [smem:$0x3FA5]  }
0x2a: {  	p0 =	seq.s32 s5, $0x0;
	s5 =	sld [smem:$0x3FA6]  }
0x2b: {  	s6 =	sld [smem:$0x3FA7]  }
0x2c: {  	s7 =	sld [smem:$0x3FA8]  }
0x2d: {  	s3 =	simm.s32 $0x108;
	s8 =	sld [smem:$0x3FA9]  }
0x2e: {  	s3 =	simm.s32 @!p0 $0x1082;
	s9 =	sld [smem:$0x3FAA]  }
0x2f: {  	lr =	sadd.s32 s0, s3;
	s0 =	sld [smem:$0x3FA1]  }
0x30: {  	s3 =	sld [smem:$0x3FA4]  }
0x31: {  	[smem:$0x3FAD] =	sst s10  }
0x32: {  	s10 =	sld [smem:$0x3FAB];
	_ =	sdelay $0x3  }
0x33: {  	p0 =	seq.s32 s10, $0x1;
	s10 =	sld [smem:$0x3FAD];
	_ =	sdelay $0x3  }
0x34: {  	[smem:$0x3FAD] =	sst s10  }
0x35: {  	s10 =	sld [smem:$0x3FAC];
	_ =	sdelay $0x3  }
0x36: {  	p1 =	seq.s32 s10, $0x1;
	s10 =	sld [smem:$0x3FAD];
	_ =	sdelay $0x3  }
0x37: {  	[smem:$0x3FAD] =	sst s10  }
0x38: {  	s10 =	sld [smem:$0x3FAE]  }
0x39: {  	_ = 	snop;
	(pc) =	sbr.ind lr, $3  }
0x3a: {  	_ = 	snop  }
0x3b: {  	_ = 	snop  }
0x3c: {  	p2 =	seq.s32 s10, $0x1;
	s10 =	sld [smem:$0x3FAD]  }
0x3d: {  	_ =	shalt  }
0x3e: {  	_ =	shalt  }
0x3f: {  	_ =	shalt  }
0x40: {  	_ =	shalt  }
0x41: {  	_ =	shalt  }
0x42: {  	_ =	shalt  }
0x43: {  	_ =	shalt  }
0x44: {  	_ =	shalt  }
0x45: {  	_ =	shalt  }
0x46: {  	_ =	shalt  }
0x47: {  	_ =	shalt  }
0x48: {  	_ =	shalt  }
0x49: {  	_ =	shalt  }
0x4a: {  	_ =	shalt  }
0x4b: {  	_ =	shalt  }
0x4c: {  	_ =	shalt  }
0x4d: {  	_ =	shalt  }
0x4e: {  	_ =	shalt  }
0x4f: {  	_ =	shalt  }
0x50: {  	_ =	shalt  }
0x51: {  	_ =	shalt  }
0x52: {  	_ =	shalt  }
0x53: {  	_ =	shalt  }
0x54: {  	_ =	shalt  }
0x55: {  	_ =	shalt  }
0x56: {  	_ =	shalt  }
0x57: {  	_ =	shalt  }
0x58: {  	_ =	shalt  }
0x59: {  	_ =	shalt  }
0x5a: {  	_ =	shalt  }
0x5b: {  	_ =	shalt  }
0x5c: {  	_ =	shalt  }
0x5d: {  	_ =	shalt  }
0x5e: {  	_ =	shalt  }
0x5f: {  	_ =	shalt  }
0x60: {  	_ =	shalt  }
0x61: {  	_ =	shalt  }
0x62: {  	_ =	shalt  }
0x63: {  	_ =	shalt  }
0x64: {  	_ =	shalt  }
0x65: {  	_ =	shalt  }
0x66: {  	_ =	shalt  }
0x67: {  	_ =	shalt  }
0x68: {  	_ =	shalt  }
0x69: {  	_ =	shalt  }
0x6a: {  	_ =	shalt  }
0x6b: {  	_ =	shalt  }
0x6c: {  	_ =	shalt  }
0x6d: {  	_ =	shalt  }
0x6e: {  	_ =	shalt  }
0x6f: {  	_ =	shalt  }
0x70: {  	_ =	shalt  }
0x71: {  	_ =	shalt  }
0x72: {  	_ =	shalt  }
0x73: {  	_ =	shalt  }
0x74: {  	_ =	shalt  }
0x75: {  	_ =	shalt  }
0x76: {  	_ =	shalt  }
0x77: {  	_ =	shalt  }
0x78: {  	_ =	shalt  }
0x79: {  	_ =	shalt  }
0x7a: {  	_ =	shalt  }
0x7b: {  	_ =	shalt  }
0x7c: {  	_ =	shalt  }
0x7d: {  	_ =	shalt  }
0x7e: {  	_ =	shalt  }
0x7f: {  	_ =	shalt  }
0x80: {  	_ =	shalt  }
0x81: {  	_ =	shalt  }
0x82: {  	_ =	shalt  }
0x83: {  	_ =	shalt  }
0x84: {  	_ =	shalt  }
0x85: {  	_ =	shalt  }
0x86: {  	_ =	shalt  }
0x87: {  	_ =	shalt  }
.Lfunc_end0:
.L_simem_size_0:
called_computation.1_lowered:
.L_overlay_start_0:
0x88: {  	s2 =	sld [smem:$0x3FD9]  }
0x89: {  	s3 =	sld [smem:$0x3FFE];
	_ =	sdelay $0x1  }
0x8a: {  	s1 =	srdreg.scid  }
0x8b: {  	s0 =	sand.u32 $0x1, s1  }
0x8c: {  	s16 =	sshll.u32 s0, $0xA;
	s2 =	sadd.s32 s3, s2  }
0x8d: {  	s2 =	sadd.s32 s2, s16  }
0x8e: {  	[smem:$0x3FB9] =	sst s2  }
0x8f: {  	_ = 	snop  }
0x90: {  	(tm) =	ssettm $0x1  }
0x91: {  	s17 =	sld [smem:$0x3FFB];
	_ =	sdelay $0x3  }
0x92: {  	_ =	strace s17  }
0x93: {  	s2 =	sld [smem:$0x3FFC];
	_ =	sdelay $0x3  }
0x94: {  	_ =	strace s2  }
0x95: {  	s2 =	sld [smem:$0x3FFD];
	_ =	sdelay $0x3  }
0x96: {  	_ =	strace s2  }
0x97: {  	_ =	strace $0x8FFFFFFF  }
0x98: {  	s18 =	sld [smem:$0x3FDB];
	_ =	sdelay $0x1  }
0x99: {  	s19 =	simm.s32 $_scs_section_size  }
0x9a: {  	s4 =	simm.s32 $_size__tile_overlayer_lowered;
	s5 =	simm.s32 $_tile_overlayer_lowered  }
0x9b: {  	s22 =	simm.s32 $0x1BFF;
	s21 =	sshll.u32 s5, $0x1;
	s2 =	sadd.s32 s19, s18  }
0x9c: {  	s6 =	simm.s32 $0x0;
	s20 =	sshll.u32 s4, $0x1;
	s4 =	sadd.s32 s21, s2  }
0x9d: {  	[timem:s6], [sflag:s22] =	dma.local [hbm:s4], s20  }
0x9e: {  	_ =	swait.ge [sflag:s22], s20  }
0x9f: {  	s3 =	ssub.s32 $0x0, s20;
	[sflag:s22] =	ssyncset.done $0x0  }
0xa0: {  	[sflag:s22] =	ssyncadd.s32 s3;
	_ =	sdelay $0x1  }
0xa1: {  	s23 =	simm.s32 $0x1B8B  }
0xa2: {  	_ =	swait.ge [sflag:s23], $0x1  }
0xa3: {  	[sflag:s23] =	ssyncset.done $0x0  }
0xa4: {  	s25 =	simm.s32 $0x1B8E;
	s24 =	sld [smem:$0x3FFE];
	[sflag:s23] =	ssyncadd.s32 $0xFFFFFFFF  }
0xa5: {  	s26 =	simm.s32 $execute0_lowered;
	[smem:$0x3FD2] =	sst s25  }
0xa6: {  	s4 =	sshll.u32 s26, $0x1;
	_ =	strace $0x80000049;
	[dreg:$0x1] =	wrdreg $0xFFFFFFFF  }
0xa7: {  	s28 =	simm.s32 $_size_execute0_lowered;
	s2 =	sadd.s32 s2, s4;
	[dreg:$0x0] =	wrdreg $0x0  }
0xa8: {  	s4 =	sshll.u32 s28, $0x1;
	[dreg:$0x2] =	wrdreg s2  }
0xa9: {  	[dreg:$0x3] =	wrdreg s4  }
0xaa: {  	[dreg:$0x4] =	wrdreg $0xC0  }
0xab: {  	_ =	task [dreg:s6], $0x5FFFF  }
0xac: {  	[dreg:$0x1] =	wrdreg $0xFFFFFFFF  }
0xad: {  	[dreg:$0x0] =	wrdreg $0x60  }
0xae: {  	[dreg:$0x2] =	wrdreg s24  }
0xaf: {  	[dreg:$0x3] =	wrdreg $0x8F800  }
0xb0: {  	[dreg:$0x4] =	wrdreg $0x9  }
0xb1: {  	_ =	task.clear_ibuf [dreg:s6], $0x5FFFF;
	_ =	strace $0x90000049  }
0xb2: {  	s29 =	simm.s32 $0x9;
	_ =	strace $0x8000004B  }
0xb3: {  	_ =	swait.ge [sflag:s29], $0x1  }
0xb4: {  	[sflag:s29] =	ssyncadd.s32 $0xFFFFFFFF  }
0xb5: {  	_ =	strace $0x9000004B  }
0xb6: {  	_ =	sfence  }
0xb7: {  	s30 =	sld [smem:$0x0];
	_ =	sdelay $0x2  }
0xb8: {  	s31 =	sshll.u32 s1, $0xD;
	s1 =	sshrl.u32 s1, $0x2  }
0xb9: {  	s3 =	sand.u32 $0x4000, s31;
	s1 =	sadd.s32 s1, s30  }
0xba: {  	s0 =	sor.u32 s3, s0;
	s1 =	sshll.u32 s1, $0x11  }
0xbb: {  	s0 =	sor.u32 s1, s0  }
0xbc: {  	s0 =	sadd.s32 $0x8F2B, s0  }
0xbd: {  	[sflag:s0] =	ssyncadd.remote.s32 $0x1  }
0xbe: {  	_ =	sfence.sel $0xFFFF  }
0xbf: {  	[dreg:$0x0] =	wrdreg $0xFFFFFFFF;
	(pc) =	sbr.abs _section_cstart, $3  }
0xc0: {  	[dreg:$0x1] =	wrdreg $0xFFFFFFFF  }
0xc1: {  	_ =	task.clear_ibuf [dreg:s6], $0x2FFFF;
	_ =	strace $0x9FFFFFFF  }
0xc2: {  	(tm) =	ssettm $0x7FFFFFFF  }
0xc3: {  	_ =	shalt  }
tec
execute0_lowered:
.L_overlay_start_1:
0x0: {  	(tag) =	ssettag $0x1  }
0x1: {  	s6 =	rddreg [dreg:$0x0]  }
0x2: {  	s0 =	srdreg.scid;
	s2 =	rddreg [dreg:$0x1];
	s3 =	simm.s32 $0x0  }
0x3: {  	s17 =	simm.s32 $0x6780;
	s18 =	simm.s32 $0x2;
	s19 =	simm.s32 $0x80  }
0x4: {  	s20 =	simm.s32 $0x400;
	s21 =	simm.s32 $0x50;
	s5 =	sand.u32 $0x1, s0  }
0x5: {  	s22 =	simm.s32 $0x1;
	s0 =	stileid.u32;
	s26 =	smul.u32 $0x13C000, s5  }
0x6: {  	[smem:$0x7FF] =	sst s3;
	s1 =	sshll.u32 s5, $0x4;
	s9 =	smul.u32 $0x13C00, s0  }
0x7: {  	s8 =	sshll.u32 s0, $0x7;
	s28 =	smul.u32 $0x4F000, s0;
	s29 =	ssub.s32 $0x2, s5  }
0x8: {  	s4 =	sor.u32 s0, s1;
	s8 =	sand.u32 $0x380, s8;
	s31 =	sshrl.u32 s29, $0x1  }
0x9: {  	s1 =	sshrl.u32 s4, $0x3;
	s4 =	sshll.u32 s4, $0xB;
	s30 =	sshrl.u32 s28, $0x2  }
0xa: {  	s16 =	ssub.s32 s29, s31;
	s7 =	smul.u32 $0x13C00, s1;
	s1 =	rddreg [dreg:$0x2]  }
0xb: {  	_ =	strace $0x8000004A;
	s14 =	sadd.s32 s4, s6;
	s5 =	sadd.s32 s30, s2  }
0xc: {  	s4 =	sadd.s32 $0x1E600, s6;
	s16 =	smax.u32 s16, $0x1;
	s10 =	sadd.s32 $0xC800, s5  }
0xd: {  	s11 =	sadd.s32 $0xF000, s5;
	s12 =	sadd.s32 $0x11800, s5;
	s7 =	sor.u32 s8, s7  }
0xe: {  	s14 =	sadd.s32 $0x4800, s14;
	s8 =	sadd.s32 s9, s26;
	s7 =	sshrl.u32 s7, $0x3  }
0xf: {  	s9 =	sadd.s32 $0xA000, s5;
	s8 =	sshrl.u32 s8, $0x3;
	s13 =	sadd.s32 s7, s6  }
0x10: {  	s15 =	sadd.s32 s8, s6;
	s6 =	sadd.s32 $0x2800, s5;
	s7 =	sadd.s32 $0x5000, s5  }
0x11: {  	v0 =	vimm.f32 $0.0e+00;
	s8 =	sadd.s32 $0x7800, s5;
	s13 =	sadd.s32 $0x14800, s13;
	s15 =	sadd.s32 $0x45800, s15  }
.LBB2_1:
0x12: {  	s23 =	simm.s32 $0x70;
	s24 =	simm.s32 $0x3C0  }
.LBB2_2:
0x13: {  	p0 =	sne.s32 s24, $0x9FC0;
	[tilespmem:s23+$0x6780] =	vst v0  }
0x14: {  	[tilespmem:s23+$0x6710] =	vst v0  }
0x15: {  	[tilespmem:s23+$0x6720] =	vst v0  }
.Ltmp0:
0x16: {  	[tilespmem:s23+$0x6730] =	vst v0;
	(pc) =	sbr.rel @p0 .LBB2_2-.Ltmp0, $4  }
0x17: {  	[tilespmem:s23+$0x6740] =	vst v0  }
0x18: {  	[tilespmem:s23+$0x6750] =	vst v0  }
0x19: {  	[tilespmem:s23+$0x6760] =	vst v0  }
0x1a: {  	[tilespmem:s23+$0x6770] =	vst v0;
	s23 =	sshra.s32 s24, $0x2;
	s24 =	sadd.s32 $0x200, s24  }
0x1b: {  	[tilespmem:s23+$0x6780] =	vst v0  }
0x1c: {  	[tilespmem:s23+$0x6710] =	vst v0  }
0x1d: {  	[tilespmem:s23+$0x6720] =	vst v0  }
0x1e: {  	[tilespmem:s23+$0x6730] =	vst v0  }
0x1f: {  	[tilespmem:s23+$0x6740] =	vst v0  }
0x20: {  	[tilespmem:s23+$0x6750] =	vst v0  }
0x21: {  	[tilespmem:s23+$0x6760] =	vst v0  }
0x22: {  	[tilespmem:s23+$0x6770] =	vst v0  }
0x23: {  	[spmem:s5] =	stream.linear.scatter [tilespmem:s17], [sflag:$0x2], $0x2800, $0x38;
	[tilespmem:$0x1CB80] =	vst v63  }
0x24: {  	_ =	swait.ge [sflag:s18], $0x2800  }
0x25: {  	[sflag:s18] =	ssyncset.done $0x0  }
0x26: {  	[sflag:s18] =	ssyncadd.s32 $0xFFFFD800  }
0x27: {  	[spmem:s6] =	stream.linear.scatter [tilespmem:s17], [sflag:$0x2], $0x2800, $0x38;
	[tilespmem:$0x1CB80] =	vst v63  }
0x28: {  	_ =	swait.ge [sflag:s18], $0x2800  }
0x29: {  	[sflag:s18] =	ssyncset.done $0x0  }
0x2a: {  	[sflag:s18] =	ssyncadd.s32 $0xFFFFD800  }
0x2b: {  	[spmem:s7] =	stream.linear.scatter [tilespmem:s17], [sflag:$0x2], $0x2800, $0x38;
	[tilespmem:$0x1CB80] =	vst v63  }
0x2c: {  	_ =	swait.ge [sflag:s18], $0x2800  }
0x2d: {  	[sflag:s18] =	ssyncset.done $0x0  }
0x2e: {  	[sflag:s18] =	ssyncadd.s32 $0xFFFFD800  }
0x2f: {  	[spmem:s8] =	stream.linear.scatter [tilespmem:s17], [sflag:$0x2], $0x2800, $0x38;
	[tilespmem:$0x1CB80] =	vst v63  }
0x30: {  	_ =	swait.ge [sflag:s18], $0x2800  }
0x31: {  	[sflag:s18] =	ssyncset.done $0x0  }
0x32: {  	[sflag:s18] =	ssyncadd.s32 $0xFFFFD800  }
0x33: {  	[spmem:s9] =	stream.linear.scatter [tilespmem:s17], [sflag:$0x2], $0x2800, $0x38;
	[tilespmem:$0x1CB80] =	vst v63  }
0x34: {  	_ =	swait.ge [sflag:s18], $0x2800  }
0x35: {  	[sflag:s18] =	ssyncset.done $0x0  }
0x36: {  	[sflag:s18] =	ssyncadd.s32 $0xFFFFD800  }
0x37: {  	[spmem:s10] =	stream.linear.scatter [tilespmem:s17], [sflag:$0x2], $0x2800, $0x38;
	[tilespmem:$0x1CB80] =	vst v63  }
0x38: {  	_ =	swait.ge [sflag:s18], $0x2800  }
0x39: {  	[sflag:s18] =	ssyncset.done $0x0  }
0x3a: {  	[sflag:s18] =	ssyncadd.s32 $0xFFFFD800  }
0x3b: {  	[spmem:s11] =	stream.linear.scatter [tilespmem:s17], [sflag:$0x2], $0x2800, $0x38;
	[tilespmem:$0x1CB80] =	vst v63  }
0x3c: {  	_ =	swait.ge [sflag:s18], $0x2800  }
0x3d: {  	[sflag:s18] =	ssyncset.done $0x0  }
0x3e: {  	[sflag:s18] =	ssyncadd.s32 $0xFFFFD800  }
0x3f: {  	[spmem:s12] =	stream.linear.scatter [tilespmem:s17], [sflag:$0x2], $0x2400, $0x38;
	[tilespmem:$0x1CB80] =	vst v63  }
0x40: {  	_ =	swait.ge [sflag:s18], $0x2400  }
0x41: {  	[sflag:s18] =	ssyncset.done $0x0  }
0x42: {  	s30 =	simm.s32 $0x0;
	[sflag:s18] =	ssyncadd.s32 $0xFFFFDC00  }
0x43: {  	[tilespmem:s30], [sflag:$0x2] =	stream.strided.gather [hbm4b:s13+s19], $0x2780, s20, s19, $0x38;
	[tilespmem:$0x1CB80] =	vst v63  }
0x44: {  	_ =	swait.ge [sflag:s18], $0x2780  }
0x45: {  	[sflag:s18] =	ssyncset.done $0x0  }
0x46: {  	s24 =	simm.s32 $0x2780;
	[sflag:s18] =	ssyncadd.s32 $0xFFFFD880  }
0x47: {  	[tilespmem:s24], [sflag:$0x2] =	stream.linear.gather [hbm4b:s14+s30], $0x3E80, $0x38;
	[tilespmem:$0x1CB80] =	vst v63  }
0x48: {  	_ =	swait.ge [sflag:s18], $0x3E80  }
0x49: {  	[sflag:s18] =	ssyncset.done $0x0  }
0x4a: {  	[sflag:s18] =	ssyncadd.s32 $0xFFFFC180  }
0x4b: {  	s31 =	simm.s32 $0x0;
	[bflag:$0x0] =	sbarrier.arrive $0xFFFF  }
0x4c: {  	[tilespmem:s17], [sflag:$0x1] =	stream.indirect.gather [hbm4b:s4+s21], $0x80, s31, s21, $0xb8;
	[tilespmem:$0x1CB80] =	vst v63  }
0x4d: {  	_ =	swait.ge [sflag:s22], $0x2800  }
0x4e: {  	[sflag:s22] =	ssyncset.done $0x0  }
0x4f: {  	[sflag:s22] =	ssyncadd.s32 $0xFFFFD800  }
0x50: {  	[spmem:s2] =	stream.indirect.scatter.add.f32 [tilespmem:s17], [sflag:$0x2], $0x80, s24, s21, $0xb8;
	[tilespmem:$0x1CB80] =	vst v63  }
0x51: {  	s25 =	simm.s32 $0x280;
	_ =	swait.ge [sflag:s18], $0x2800  }
0x52: {  	s23 =	simm.s32 $0x2800;
	s24 =	simm.s32 $0x140;
	[sflag:s18] =	ssyncset.done $0x0  }
.LBB2_4:
0x53: {  	s26 =	sshra.s32 s24, $0x2  }
0x54: {  	[sflag:s18] =	ssyncadd.s32 $0xFFFFD800;
	s24 =	smov.u32 s25;
	s28 =	sadd.s32 $0x140, s25  }
0x55: {  	[tilespmem:s17], [sflag:$0x1] =	stream.indirect.gather [hbm4b:s4+s21], $0x80, s26, s21, $0xb8;
	[tilespmem:$0x1CB80] =	vst v63  }
0x56: {  	p0 =	sne.s32 s25, $0x9B00;
	_ =	swait.ge [sflag:s22], $0x2800  }
.Ltmp1:
0x57: {  	[sflag:s22] =	ssyncset.done $0x0;
	(pc) =	sbr.rel @p0 .LBB2_4-.Ltmp1, $4  }
0x58: {  	[sflag:s22] =	ssyncadd.s32 $0xFFFFD800  }
0x59: {  	[spmem:s2] =	stream.indirect.scatter.add.f32 [tilespmem:s17], [sflag:$0x2], $0x80, s23, s21, $0xb8;
	[tilespmem:$0x1CB80] =	vst v63  }
0x5a: {  	_ =	swait.ge [sflag:s18], $0x2800  }
0x5b: {  	s25 =	smov.u32 s28;
	s23 =	sadd.s32 $0x80, s23;
	[sflag:s18] =	ssyncset.done $0x0  }
0x5c: {  	s24 =	sshra.s32 s24, $0x2;
	[sflag:s18] =	ssyncadd.s32 $0xFFFFD800  }
0x5d: {  	[tilespmem:s17], [sflag:$0x1] =	stream.indirect.gather [hbm4b:s4+s21], $0x80, s24, s21, $0xb8;
	[tilespmem:$0x1CB80] =	vst v63  }
0x5e: {  	_ =	swait.ge [sflag:s22], $0x2800  }
0x5f: {  	[sflag:s22] =	ssyncset.done $0x0  }
0x60: {  	[sflag:s22] =	ssyncadd.s32 $0xFFFFD800  }
0x61: {  	[spmem:s2] =	stream.indirect.scatter.add.f32 [tilespmem:s17], [sflag:$0x2], $0x80, s23, s21, $0xb8;
	[tilespmem:$0x1CB80] =	vst v63  }
0x62: {  	_ =	swait.ge [sflag:s18], $0x2800  }
0x63: {  	s30 =	sshll.u32 s0, $0x6;
	s3 =	sadd.s32 $0x1, s3;
	[sflag:s18] =	ssyncset.done $0x0  }
0x64: {  	s31 =	sshrl.u32 s5, $0x3;
	p0 =	sne.s32 s3, s16;
	[sflag:s18] =	ssyncadd.s32 $0xFFFFD800  }
.Ltmp2:
0x65: {  	s23 =	sor.u32 $0x1C02, s30;
	[bflag:$0x0] =	sbarrier.arrive $0xFFFF;
	(pc) =	sbr.rel @p0 .LBB2_1-.Ltmp2, $4  }
0x66: {  	[hbm:s15], [sflag:s23] =	dma.local [spmem:s31], $0x2780  }
0x67: {  	_ =	swait.ge [sflag:s18], $0x2780  }
0x68: {  	[sflag:s18] =	ssyncset.done $0x0  }
0x69: {  	[sflag:s18] =	ssyncadd.s32 $0xFFFFD880  }
0x6a: {  	_ =	sfence.sel $0x180000  }
0x6b: {  	[bflag:$0x0] =	sbarrier.arrive $0xFFFF  }
0x6c: {  	p0 =	sne.s32 s0, $0x0;
	_ =	strace $0x9000004A  }
0x6d: {  	s0 =	sadd.s32 @!p0 $0x100000, s1;
	[bflag:$0x2] =	sbarrier.arrive $0xFFFF  }
0x6e: {  	[sflag:s0] =	ssyncadd.tile.s32 @!p0 $0x1;
	_ =	shalt  }
.Lfunc_end2:
_tile_overlayer_lowered:
.L_overlay_start_2:
0x6f: {  	(tag) =	ssettag $0x2  }
0x70: {  	s0 =	rddreg [dreg:$0x0];
	s2 =	stileid.u32  }
0x71: {  	s1 =	rddreg [dreg:$0x1];
	p0 =	sne.s32 s2, $0x0  }
0x72: {  	s3 =	rddreg [dreg:$0x2];
	[bflag:$0x3] =	sbarrier.arrive $0xFFFF;
	s2 =	simm.s32 @!p0 $0x1C02  }
0x73: {  	[timem:s3], [sflag:s2] =	dma.local @!p0 [hbm:s0], s1  }
0x74: {  	s0 =	simm.s32 @!p0 $0x2  }
0x75: {  	_ =	swait.ge @!p0 [sflag:s0], s1  }
0x76: {  	s1 =	ssub.s32 @!p0 $0x0, s1;
	[sflag:s0] =	ssyncset.done @!p0 $0x0  }
0x77: {  	[sflag:s0] =	ssyncadd.s32 @!p0 s1  }
0x78: {  	[bflag:$0x3] =	sbarrier.arrive $0xFFFF  }
0x79: {  	_ =	shalt  }

// kernel: kernel.14.cloned.1.call-start
scs
__scs_entry_jumppad:
0x0: {  	(pc) =	sbr.rel $0x88, $3  }
0x1: {  	(tag) =	ssettag $0x0;
	lr =	simm.s32 $0x1  }
0x2: {  	[smem:$0x3F92] =	sst lr;
	_ =	strace $0xD0000000  }
0x3: {  	_ = 	snop  }
0x4: {  	_ = 	snop  }
0x5: {  	_ = 	snop  }
0x6: {  	_ = 	snop  }
0x7: {  	_ = 	snop  }
__scs_overlays_trampoline_lowered:
0x8: {  	[smem:$0x3FA1] =	sst s0  }
0x9: {  	[smem:$0x3FA2] =	sst s1  }
0xa: {  	[smem:$0x3FA3] =	sst s2  }
0xb: {  	[smem:$0x3FA4] =	sst s3  }
0xc: {  	[smem:$0x3FA5] =	sst s4  }
0xd: {  	[smem:$0x3FA6] =	sst s5  }
0xe: {  	[smem:$0x3FA7] =	sst s6  }
0xf: {  	[smem:$0x3FA8] =	sst s7  }
0x10: {  	[smem:$0x3FA9] =	sst s8  }
0x11: {  	[smem:$0x3FAA] =	sst s9;
	s0 =	simm.s32 @!p0 $0x0  }
0x12: {  	s1 =	sld [smem:$0x3F90];
	s0 =	simm.s32 @p0 $0x1  }
0x13: {  	[smem:$0x3FAB] =	sst s0;
	s0 =	simm.s32 @!p1 $0x0  }
0x14: {  	s2 =	sld [smem:$0x3F8F];
	s0 =	simm.s32 @p1 $0x1  }
0x15: {  	[smem:$0x3FAC] =	sst s0;
	s0 =	simm.s32 @!p2 $0x0  }
0x16: {  	s3 =	sld [smem:$0x3FDB];
	s0 =	simm.s32 @p2 $0x1  }
0x17: {  	s4 =	simm.s32 $0x1BF5;
	[smem:$0x3FAE] =	sst s0  }
0x18: {  	s0 =	sld [smem:$0x3F91];
	_ =	swait.ge [sflag:s4], $0x0  }
0x19: {  	s7 =	sld [smem:$0x3F92]  }
0x1a: {  	s8 =	sadd.s32 $0xFFFFE003, lr  }
0x1b: {  	s9 =	sadd.s32 $0xFFFFFEF7, lr;
	s5 =	simm.s32 $0xFFFFFFFF;
	p2 =	slt.u32 s8, $0xFFFFF086  }
0x1c: {  	p1 =	slt.u32 s9, $0xF7A;
	s5 =	simm.s32 @!p2 $0x0  }
0x1d: {  	s5 =	simm.s32 @p1 $0x1;
	p0 =	seq.s32 s7, s2  }
0x1e: {  	s7 =	smul.u32 @!p0 $0xF7A, s2;
	p2 =	seq.s32 @!p0 s5, $0x0  }
0x1f: {  	s9 =	smul.u32 $0xF7A, s1;
	s8 =	simm.s32 @!p0 $0x1BF5;
	p2 =	por !p2, p0  }
0x20: {  	[sflag:s8] =	ssyncset.s32 @!p0 $0xFFFFF086;
	s6 =	sadd.s32 @!p0 s3, s7;
	s7 =	simm.s32 @!p0 $0x108  }
0x21: {  	s3 =	sadd.s32 s3, s9;
	s6 =	sadd.s32 @!p0 $0x88, s6;
	s7 =	simm.s32 @p2 $0x1082  }
0x22: {  	[simem:s7], [sflag:s8] =	dma.local @!p0 [hbm:s6], $0xF7A  }
0x23: {  	s9 =	sor.u32 $0xD0000000, s2;
	s6 =	simm.s32 $0x108;
	_ =	swait.ge @!p0 [sflag:s8], $0x0  }
0x24: {  	s3 =	sadd.s32 $0x88, s3;
	s6 =	simm.s32 @!p1 $0x1082;
	[sflag:s4] =	ssyncset.s32 $0xFFFFF086  }
0x25: {  	[simem:s6], [sflag:s4] =	dma.local [hbm:s3], $0xF7A  }
0x26: {  	[smem:$0x3F92] =	sst s1;
	(tag) =	ssettag s2;
	_ =	strace s9  }
0x27: {  	s1 =	sld [smem:$0x3FA2]  }
0x28: {  	s2 =	sld [smem:$0x3FA3]  }
0x29: {  	s4 =	sld [smem:$0x3FA5]  }
0x2a: {  	p0 =	seq.s32 s5, $0x0;
	s5 =	sld [smem:$0x3FA6]  }
0x2b: {  	s6 =	sld [smem:$0x3FA7]  }
0x2c: {  	s7 =	sld [smem:$0x3FA8]  }
0x2d: {  	s3 =	simm.s32 $0x108;
	s8 =	sld [smem:$0x3FA9]  }
0x2e: {  	s3 =	simm.s32 @!p0 $0x1082;
	s9 =	sld [smem:$0x3FAA]  }
0x2f: {  	lr =	sadd.s32 s0, s3;
	s0 =	sld [smem:$0x3FA1]  }
0x30: {  	s3 =	sld [smem:$0x3FA4]  }
0x31: {  	[smem:$0x3FAD] =	sst s10  }
0x32: {  	s10 =	sld [smem:$0x3FAB];
	_ =	sdelay $0x3  }
0x33: {  	p0 =	seq.s32 s10, $0x1;
	s10 =	sld [smem:$0x3FAD];
	_ =	sdelay $0x3  }
0x34: {  	[smem:$0x3FAD] =	sst s10  }
0x35: {  	s10 =	sld [smem:$0x3FAC];
	_ =	sdelay $0x3  }
0x36: {  	p1 =	seq.s32 s10, $0x1;
	s10 =	sld [smem:$0x3FAD];
	_ =	sdelay $0x3  }
0x37: {  	[smem:$0x3FAD] =	sst s10  }
0x38: {  	s10 =	sld [smem:$0x3FAE]  }
0x39: {  	_ = 	snop;
	(pc) =	sbr.ind lr, $3  }
0x3a: {  	_ = 	snop  }
0x3b: {  	_ = 	snop  }
0x3c: {  	p2 =	seq.s32 s10, $0x1;
	s10 =	sld [smem:$0x3FAD]  }
0x3d: {  	_ =	shalt  }
0x3e: {  	_ =	shalt  }
0x3f: {  	_ =	shalt  }
0x40: {  	_ =	shalt  }
0x41: {  	_ =	shalt  }
0x42: {  	_ =	shalt  }
0x43: {  	_ =	shalt  }
0x44: {  	_ =	shalt  }
0x45: {  	_ =	shalt  }
0x46: {  	_ =	shalt  }
0x47: {  	_ =	shalt  }
0x48: {  	_ =	shalt  }
0x49: {  	_ =	shalt  }
0x4a: {  	_ =	shalt  }
0x4b: {  	_ =	shalt  }
0x4c: {  	_ =	shalt  }
0x4d: {  	_ =	shalt  }
0x4e: {  	_ =	shalt  }
0x4f: {  	_ =	shalt  }
0x50: {  	_ =	shalt  }
0x51: {  	_ =	shalt  }
0x52: {  	_ =	shalt  }
0x53: {  	_ =	shalt  }
0x54: {  	_ =	shalt  }
0x55: {  	_ =	shalt  }
0x56: {  	_ =	shalt  }
0x57: {  	_ =	shalt  }
0x58: {  	_ =	shalt  }
0x59: {  	_ =	shalt  }
0x5a: {  	_ =	shalt  }
0x5b: {  	_ =	shalt  }
0x5c: {  	_ =	shalt  }
0x5d: {  	_ =	shalt  }
0x5e: {  	_ =	shalt  }
0x5f: {  	_ =	shalt  }
0x60: {  	_ =	shalt  }
0x61: {  	_ =	shalt  }
0x62: {  	_ =	shalt  }
0x63: {  	_ =	shalt  }
0x64: {  	_ =	shalt  }
0x65: {  	_ =	shalt  }
0x66: {  	_ =	shalt  }
0x67: {  	_ =	shalt  }
0x68: {  	_ =	shalt  }
0x69: {  	_ =	shalt  }
0x6a: {  	_ =	shalt  }
0x6b: {  	_ =	shalt  }
0x6c: {  	_ =	shalt  }
0x6d: {  	_ =	shalt  }
0x6e: {  	_ =	shalt  }
0x6f: {  	_ =	shalt  }
0x70: {  	_ =	shalt  }
0x71: {  	_ =	shalt  }
0x72: {  	_ =	shalt  }
0x73: {  	_ =	shalt  }
0x74: {  	_ =	shalt  }
0x75: {  	_ =	shalt  }
0x76: {  	_ =	shalt  }
0x77: {  	_ =	shalt  }
0x78: {  	_ =	shalt  }
0x79: {  	_ =	shalt  }
0x7a: {  	_ =	shalt  }
0x7b: {  	_ =	shalt  }
0x7c: {  	_ =	shalt  }
0x7d: {  	_ =	shalt  }
0x7e: {  	_ =	shalt  }
0x7f: {  	_ =	shalt  }
0x80: {  	_ =	shalt  }
0x81: {  	_ =	shalt  }
0x82: {  	_ =	shalt  }
0x83: {  	_ =	shalt  }
0x84: {  	_ =	shalt  }
0x85: {  	_ =	shalt  }
0x86: {  	_ =	shalt  }
0x87: {  	_ =	shalt  }
.Lfunc_end0:
.L_simem_size_0:
called_computation.2_lowered:
.L_overlay_start_0:
0x88: {  	s2 =	sld [smem:$0x3FD9]  }
0x89: {  	s3 =	sld [smem:$0x3FFE];
	_ =	sdelay $0x1  }
0x8a: {  	s1 =	srdreg.scid  }
0x8b: {  	s0 =	sand.u32 $0x1, s1  }
0x8c: {  	s16 =	sshll.u32 s0, $0xA;
	s2 =	sadd.s32 s3, s2  }
0x8d: {  	s2 =	sadd.s32 s2, s16  }
0x8e: {  	[smem:$0x3FB9] =	sst s2  }
0x8f: {  	_ = 	snop  }
0x90: {  	(tm) =	ssettm $0x1  }
0x91: {  	s17 =	sld [smem:$0x3FFB];
	_ =	sdelay $0x3  }
0x92: {  	_ =	strace s17  }
0x93: {  	s2 =	sld [smem:$0x3FFC];
	_ =	sdelay $0x3  }
0x94: {  	_ =	strace s2  }
0x95: {  	s2 =	sld [smem:$0x3FFD];
	_ =	sdelay $0x3  }
0x96: {  	_ =	strace s2  }
0x97: {  	_ =	strace $0x8FFFFFFF  }
0x98: {  	s18 =	sld [smem:$0x3FDB];
	_ =	sdelay $0x1  }
0x99: {  	s19 =	simm.s32 $_scs_section_size  }
0x9a: {  	s4 =	simm.s32 $_size__tile_overlayer_lowered;
	s5 =	simm.s32 $_tile_overlayer_lowered  }
0x9b: {  	s22 =	simm.s32 $0x1BFF;
	s21 =	sshll.u32 s5, $0x1;
	s2 =	sadd.s32 s19, s18  }
0x9c: {  	s6 =	simm.s32 $0x0;
	s20 =	sshll.u32 s4, $0x1;
	s4 =	sadd.s32 s21, s2  }
0x9d: {  	[timem:s6], [sflag:s22] =	dma.local [hbm:s4], s20  }
0x9e: {  	_ =	swait.ge [sflag:s22], s20  }
0x9f: {  	s3 =	ssub.s32 $0x0, s20;
	[sflag:s22] =	ssyncset.done $0x0  }
0xa0: {  	[sflag:s22] =	ssyncadd.s32 s3;
	_ =	sdelay $0x1  }
0xa1: {  	s23 =	simm.s32 $0x1B8B  }
0xa2: {  	_ =	swait.ge [sflag:s23], $0x1  }
0xa3: {  	[sflag:s23] =	ssyncset.done $0x0  }
0xa4: {  	s25 =	simm.s32 $0x1B8E;
	s24 =	sld [smem:$0x3FFE];
	[sflag:s23] =	ssyncadd.s32 $0xFFFFFFFF  }
0xa5: {  	s26 =	simm.s32 $execute0_lowered;
	[smem:$0x3FD2] =	sst s25  }
0xa6: {  	s4 =	sshll.u32 s26, $0x1;
	_ =	strace $0x8000004C;
	[dreg:$0x1] =	wrdreg $0xFFFFFFFF  }
0xa7: {  	s28 =	simm.s32 $_size_execute0_lowered;
	s2 =	sadd.s32 s2, s4;
	[dreg:$0x0] =	wrdreg $0x0  }
0xa8: {  	s4 =	sshll.u32 s28, $0x1;
	[dreg:$0x2] =	wrdreg s2  }
0xa9: {  	[dreg:$0x3] =	wrdreg s4  }
0xaa: {  	[dreg:$0x4] =	wrdreg $0xC0  }
0xab: {  	_ =	task [dreg:s6], $0x5FFFF  }
0xac: {  	[dreg:$0x1] =	wrdreg $0xFFFFFFFF  }
0xad: {  	[dreg:$0x0] =	wrdreg $0x60  }
0xae: {  	[dreg:$0x2] =	wrdreg s24  }
0xaf: {  	[dreg:$0x3] =	wrdreg $0x8F800  }
0xb0: {  	[dreg:$0x4] =	wrdreg $0x9  }
0xb1: {  	_ =	task.clear_ibuf [dreg:s6], $0x5FFFF;
	_ =	strace $0x9000004C  }
0xb2: {  	s29 =	simm.s32 $0x9;
	_ =	strace $0x8000004E  }
0xb3: {  	_ =	swait.ge [sflag:s29], $0x1  }
0xb4: {  	[sflag:s29] =	ssyncadd.s32 $0xFFFFFFFF  }
0xb5: {  	_ =	strace $0x9000004E  }
0xb6: {  	_ =	sfence  }
0xb7: {  	s30 =	sld [smem:$0x0];
	_ =	sdelay $0x2  }
0xb8: {  	s31 =	sshll.u32 s1, $0xD;
	s1 =	sshrl.u32 s1, $0x2  }
0xb9: {  	s3 =	sand.u32 $0x4000, s31;
	s1 =	sadd.s32 s1, s30  }
0xba: {  	s0 =	sor.u32 s3, s0;
	s1 =	sshll.u32 s1, $0x11  }
0xbb: {  	s0 =	sor.u32 s1, s0  }
0xbc: {  	s0 =	sadd.s32 $0x8F2B, s0  }
0xbd: {  	[sflag:s0] =	ssyncadd.remote.s32 $0x1  }
0xbe: {  	_ =	sfence.sel $0xFFFF  }
0xbf: {  	[dreg:$0x0] =	wrdreg $0xFFFFFFFF;
	(pc) =	sbr.abs _section_cstart, $3  }
0xc0: {  	[dreg:$0x1] =	wrdreg $0xFFFFFFFF  }
0xc1: {  	_ =	task.clear_ibuf [dreg:s6], $0x2FFFF;
	_ =	strace $0x9FFFFFFF  }
0xc2: {  	(tm) =	ssettm $0x7FFFFFFF  }
0xc3: {  	_ =	shalt  }
tec
execute0_lowered:
.L_overlay_start_1:
0x0: {  	(tag) =	ssettag $0x1  }
0x1: {  	s6 =	rddreg [dreg:$0x0]  }
0x2: {  	s0 =	srdreg.scid;
	s2 =	rddreg [dreg:$0x1];
	s3 =	simm.s32 $0x0  }
0x3: {  	s17 =	simm.s32 $0x6780;
	s18 =	simm.s32 $0x2;
	s19 =	simm.s32 $0x80  }
0x4: {  	s20 =	simm.s32 $0x400;
	s21 =	simm.s32 $0x50;
	s5 =	sand.u32 $0x1, s0  }
0x5: {  	s22 =	simm.s32 $0x1;
	s0 =	stileid.u32;
	s26 =	smul.u32 $0x13C000, s5  }
0x6: {  	[smem:$0x7FF] =	sst s3;
	s1 =	sshll.u32 s5, $0x4;
	s9 =	smul.u32 $0x13C00, s0  }
0x7: {  	s8 =	sshll.u32 s0, $0x7;
	s28 =	smul.u32 $0x4F000, s0;
	s29 =	ssub.s32 $0x2, s5  }
0x8: {  	s4 =	sor.u32 s0, s1;
	s8 =	sand.u32 $0x380, s8;
	s31 =	sshrl.u32 s29, $0x1  }
0x9: {  	s1 =	sshrl.u32 s4, $0x3;
	s4 =	sshll.u32 s4, $0xB;
	s30 =	sshrl.u32 s28, $0x2  }
0xa: {  	s16 =	ssub.s32 s29, s31;
	s7 =	smul.u32 $0x13C00, s1;
	s1 =	rddreg [dreg:$0x2]  }
0xb: {  	_ =	strace $0x8000004D;
	s14 =	sadd.s32 s4, s6;
	s5 =	sadd.s32 s30, s2  }
0xc: {  	s4 =	sadd.s32 $0x1E600, s6;
	s16 =	smax.u32 s16, $0x1;
	s10 =	sadd.s32 $0xC800, s5  }
0xd: {  	s11 =	sadd.s32 $0xF000, s5;
	s12 =	sadd.s32 $0x11800, s5;
	s7 =	sor.u32 s8, s7  }
0xe: {  	s14 =	sadd.s32 $0x4800, s14;
	s8 =	sadd.s32 s9, s26;
	s7 =	sshrl.u32 s7, $0x3  }
0xf: {  	s9 =	sadd.s32 $0xA000, s5;
	s8 =	sshrl.u32 s8, $0x3;
	s13 =	sadd.s32 s7, s6  }
0x10: {  	s15 =	sadd.s32 s8, s6;
	s6 =	sadd.s32 $0x2800, s5;
	s7 =	sadd.s32 $0x5000, s5  }
0x11: {  	v0 =	vimm.f32 $0.0e+00;
	s8 =	sadd.s32 $0x7800, s5;
	s13 =	sadd.s32 $0x14800, s13;
	s15 =	sadd.s32 $0x45800, s15  }
.LBB2_1:
0x12: {  	s23 =	simm.s32 $0x70;
	s24 =	simm.s32 $0x3C0  }
.LBB2_2:
0x13: {  	p0 =	sne.s32 s24, $0x9FC0;
	[tilespmem:s23+$0x6780] =	vst v0  }
0x14: {  	[tilespmem:s23+$0x6710] =	vst v0  }
0x15: {  	[tilespmem:s23+$0x6720] =	vst v0  }
.Ltmp0:
0x16: {  	[tilespmem:s23+$0x6730] =	vst v0;
	(pc) =	sbr.rel @p0 .LBB2_2-.Ltmp0, $4  }
0x17: {  	[tilespmem:s23+$0x6740] =	vst v0  }
0x18: {  	[tilespmem:s23+$0x6750] =	vst v0  }
0x19: {  	[tilespmem:s23+$0x6760] =	vst v0  }
0x1a: {  	[tilespmem:s23+$0x6770] =	vst v0;
	s23 =	sshra.s32 s24, $0x2;
	s24 =	sadd.s32 $0x200, s24  }
0x1b: {  	[tilespmem:s23+$0x6780] =	vst v0  }
0x1c: {  	[tilespmem:s23+$0x6710] =	vst v0  }
0x1d: {  	[tilespmem:s23+$0x6720] =	vst v0  }
0x1e: {  	[tilespmem:s23+$0x6730] =	vst v0  }
0x1f: {  	[tilespmem:s23+$0x6740] =	vst v0  }
0x20: {  	[tilespmem:s23+$0x6750] =	vst v0  }
0x21: {  	[tilespmem:s23+$0x6760] =	vst v0  }
0x22: {  	[tilespmem:s23+$0x6770] =	vst v0  }
0x23: {  	[spmem:s5] =	stream.linear.scatter [tilespmem:s17], [sflag:$0x2], $0x2800, $0x38;
	[tilespmem:$0x1CB80] =	vst v63  }
0x24: {  	_ =	swait.ge [sflag:s18], $0x2800  }
0x25: {  	[sflag:s18] =	ssyncset.done $0x0  }
0x26: {  	[sflag:s18] =	ssyncadd.s32 $0xFFFFD800  }
0x27: {  	[spmem:s6] =	stream.linear.scatter [tilespmem:s17], [sflag:$0x2], $0x2800, $0x38;
	[tilespmem:$0x1CB80] =	vst v63  }
0x28: {  	_ =	swait.ge [sflag:s18], $0x2800  }
0x29: {  	[sflag:s18] =	ssyncset.done $0x0  }
0x2a: {  	[sflag:s18] =	ssyncadd.s32 $0xFFFFD800  }
0x2b: {  	[spmem:s7] =	stream.linear.scatter [tilespmem:s17], [sflag:$0x2], $0x2800, $0x38;
	[tilespmem:$0x1CB80] =	vst v63  }
0x2c: {  	_ =	swait.ge [sflag:s18], $0x2800  }
0x2d: {  	[sflag:s18] =	ssyncset.done $0x0  }
0x2e: {  	[sflag:s18] =	ssyncadd.s32 $0xFFFFD800  }
0x2f: {  	[spmem:s8] =	stream.linear.scatter [tilespmem:s17], [sflag:$0x2], $0x2800, $0x38;
	[tilespmem:$0x1CB80] =	vst v63  }
0x30: {  	_ =	swait.ge [sflag:s18], $0x2800  }
0x31: {  	[sflag:s18] =	ssyncset.done $0x0  }
0x32: {  	[sflag:s18] =	ssyncadd.s32 $0xFFFFD800  }
0x33: {  	[spmem:s9] =	stream.linear.scatter [tilespmem:s17], [sflag:$0x2], $0x2800, $0x38;
	[tilespmem:$0x1CB80] =	vst v63  }
0x34: {  	_ =	swait.ge [sflag:s18], $0x2800  }
0x35: {  	[sflag:s18] =	ssyncset.done $0x0  }
0x36: {  	[sflag:s18] =	ssyncadd.s32 $0xFFFFD800  }
0x37: {  	[spmem:s10] =	stream.linear.scatter [tilespmem:s17], [sflag:$0x2], $0x2800, $0x38;
	[tilespmem:$0x1CB80] =	vst v63  }
0x38: {  	_ =	swait.ge [sflag:s18], $0x2800  }
0x39: {  	[sflag:s18] =	ssyncset.done $0x0  }
0x3a: {  	[sflag:s18] =	ssyncadd.s32 $0xFFFFD800  }
0x3b: {  	[spmem:s11] =	stream.linear.scatter [tilespmem:s17], [sflag:$0x2], $0x2800, $0x38;
	[tilespmem:$0x1CB80] =	vst v63  }
0x3c: {  	_ =	swait.ge [sflag:s18], $0x2800  }
0x3d: {  	[sflag:s18] =	ssyncset.done $0x0  }
0x3e: {  	[sflag:s18] =	ssyncadd.s32 $0xFFFFD800  }
0x3f: {  	[spmem:s12] =	stream.linear.scatter [tilespmem:s17], [sflag:$0x2], $0x2400, $0x38;
	[tilespmem:$0x1CB80] =	vst v63  }
0x40: {  	_ =	swait.ge [sflag:s18], $0x2400  }
0x41: {  	[sflag:s18] =	ssyncset.done $0x0  }
0x42: {  	s30 =	simm.s32 $0x0;
	[sflag:s18] =	ssyncadd.s32 $0xFFFFDC00  }
0x43: {  	[tilespmem:s30], [sflag:$0x2] =	stream.strided.gather [hbm4b:s13+s19], $0x2780, s20, s19, $0x38;
	[tilespmem:$0x1CB80] =	vst v63  }
0x44: {  	_ =	swait.ge [sflag:s18], $0x2780  }
0x45: {  	[sflag:s18] =	ssyncset.done $0x0  }
0x46: {  	s24 =	simm.s32 $0x2780;
	[sflag:s18] =	ssyncadd.s32 $0xFFFFD880  }
0x47: {  	[tilespmem:s24], [sflag:$0x2] =	stream.linear.gather [hbm4b:s14+s30], $0x3E80, $0x38;
	[tilespmem:$0x1CB80] =	vst v63  }
0x48: {  	_ =	swait.ge [sflag:s18], $0x3E80  }
0x49: {  	[sflag:s18] =	ssyncset.done $0x0  }
0x4a: {  	[sflag:s18] =	ssyncadd.s32 $0xFFFFC180  }
0x4b: {  	s31 =	simm.s32 $0x0;
	[bflag:$0x0] =	sbarrier.arrive $0xFFFF  }
0x4c: {  	[tilespmem:s17], [sflag:$0x1] =	stream.indirect.gather [hbm4b:s4+s21], $0x80, s31, s21, $0xb8;
	[tilespmem:$0x1CB80] =	vst v63  }
0x4d: {  	_ =	swait.ge [sflag:s22], $0x2800  }
0x4e: {  	[sflag:s22] =	ssyncset.done $0x0  }
0x4f: {  	[sflag:s22] =	ssyncadd.s32 $0xFFFFD800  }
0x50: {  	[spmem:s2] =	stream.indirect.scatter.add.f32 [tilespmem:s17], [sflag:$0x2], $0x80, s24, s21, $0xb8;
	[tilespmem:$0x1CB80] =	vst v63  }
0x51: {  	s25 =	simm.s32 $0x280;
	_ =	swait.ge [sflag:s18], $0x2800  }
0x52: {  	s23 =	simm.s32 $0x2800;
	s24 =	simm.s32 $0x140;
	[sflag:s18] =	ssyncset.done $0x0  }
.LBB2_4:
0x53: {  	s26 =	sshra.s32 s24, $0x2  }
0x54: {  	[sflag:s18] =	ssyncadd.s32 $0xFFFFD800;
	s24 =	smov.u32 s25;
	s28 =	sadd.s32 $0x140, s25  }
0x55: {  	[tilespmem:s17], [sflag:$0x1] =	stream.indirect.gather [hbm4b:s4+s21], $0x80, s26, s21, $0xb8;
	[tilespmem:$0x1CB80] =	vst v63  }
0x56: {  	p0 =	sne.s32 s25, $0x9B00;
	_ =	swait.ge [sflag:s22], $0x2800  }
.Ltmp1:
0x57: {  	[sflag:s22] =	ssyncset.done $0x0;
	(pc) =	sbr.rel @p0 .LBB2_4-.Ltmp1, $4  }
0x58: {  	[sflag:s22] =	ssyncadd.s32 $0xFFFFD800  }
0x59: {  	[spmem:s2] =	stream.indirect.scatter.add.f32 [tilespmem:s17], [sflag:$0x2], $0x80, s23, s21, $0xb8;
	[tilespmem:$0x1CB80] =	vst v63  }
0x5a: {  	_ =	swait.ge [sflag:s18], $0x2800  }
0x5b: {  	s25 =	smov.u32 s28;
	s23 =	sadd.s32 $0x80, s23;
	[sflag:s18] =	ssyncset.done $0x0  }
0x5c: {  	s24 =	sshra.s32 s24, $0x2;
	[sflag:s18] =	ssyncadd.s32 $0xFFFFD800  }
0x5d: {  	[tilespmem:s17], [sflag:$0x1] =	stream.indirect.gather [hbm4b:s4+s21], $0x80, s24, s21, $0xb8;
	[tilespmem:$0x1CB80] =	vst v63  }
0x5e: {  	_ =	swait.ge [sflag:s22], $0x2800  }
0x5f: {  	[sflag:s22] =	ssyncset.done $0x0  }
0x60: {  	[sflag:s22] =	ssyncadd.s32 $0xFFFFD800  }
0x61: {  	[spmem:s2] =	stream.indirect.scatter.add.f32 [tilespmem:s17], [sflag:$0x2], $0x80, s23, s21, $0xb8;
	[tilespmem:$0x1CB80] =	vst v63  }
0x62: {  	_ =	swait.ge [sflag:s18], $0x2800  }
0x63: {  	s30 =	sshll.u32 s0, $0x6;
	s3 =	sadd.s32 $0x1, s3;
	[sflag:s18] =	ssyncset.done $0x0  }
0x64: {  	s31 =	sshrl.u32 s5, $0x3;
	p0 =	sne.s32 s3, s16;
	[sflag:s18] =	ssyncadd.s32 $0xFFFFD800  }
.Ltmp2:
0x65: {  	s23 =	sor.u32 $0x1C02, s30;
	[bflag:$0x0] =	sbarrier.arrive $0xFFFF;
	(pc) =	sbr.rel @p0 .LBB2_1-.Ltmp2, $4  }
0x66: {  	[hbm:s15], [sflag:s23] =	dma.local [spmem:s31], $0x2780  }
0x67: {  	_ =	swait.ge [sflag:s18], $0x2780  }
0x68: {  	[sflag:s18] =	ssyncset.done $0x0  }
0x69: {  	[sflag:s18] =	ssyncadd.s32 $0xFFFFD880  }
0x6a: {  	_ =	sfence.sel $0x180000  }
0x6b: {  	[bflag:$0x0] =	sbarrier.arrive $0xFFFF  }
0x6c: {  	p0 =	sne.s32 s0, $0x0;
	_ =	strace $0x9000004D  }
0x6d: {  	s0 =	sadd.s32 @!p0 $0x100000, s1;
	[bflag:$0x2] =	sbarrier.arrive $0xFFFF  }
0x6e: {  	[sflag:s0] =	ssyncadd.tile.s32 @!p0 $0x1;
	_ =	shalt  }
.Lfunc_end2:
_tile_overlayer_lowered:
.L_overlay_start_2:
0x6f: {  	(tag) =	ssettag $0x2  }
0x70: {  	s0 =	rddreg [dreg:$0x0];
	s2 =	stileid.u32  }
0x71: {  	s1 =	rddreg [dreg:$0x1];
	p0 =	sne.s32 s2, $0x0  }
0x72: {  	s3 =	rddreg [dreg:$0x2];
	[bflag:$0x3] =	sbarrier.arrive $0xFFFF;
	s2 =	simm.s32 @!p0 $0x1C02  }
0x73: {  	[timem:s3], [sflag:s2] =	dma.local @!p0 [hbm:s0], s1  }
0x74: {  	s0 =	simm.s32 @!p0 $0x2  }
0x75: {  	_ =	swait.ge @!p0 [sflag:s0], s1  }
0x76: {  	s1 =	ssub.s32 @!p0 $0x0, s1;
	[sflag:s0] =	ssyncset.done @!p0 $0x0  }
0x77: {  	[sflag:s0] =	ssyncadd.s32 @!p0 s1  }
0x78: {  	[bflag:$0x3] =	sbarrier.arrive $0xFFFF  }
0x79: {  	_ =	shalt  }

// kernel: kernel.8.cloned.1.call-start
scs
__scs_entry_jumppad:
0x0: {  	(pc) =	sbr.rel $0x88, $3  }
0x1: {  	(tag) =	ssettag $0x0;
	lr =	simm.s32 $0x1  }
0x2: {  	[smem:$0x3F92] =	sst lr;
	_ =	strace $0xD0000000  }
0x3: {  	_ = 	snop  }
0x4: {  	_ = 	snop  }
0x5: {  	_ = 	snop  }
0x6: {  	_ = 	snop  }
0x7: {  	_ = 	snop  }
__scs_overlays_trampoline_lowered:
0x8: {  	[smem:$0x3FA1] =	sst s0  }
0x9: {  	[smem:$0x3FA2] =	sst s1  }
0xa: {  	[smem:$0x3FA3] =	sst s2  }
0xb: {  	[smem:$0x3FA4] =	sst s3  }
0xc: {  	[smem:$0x3FA5] =	sst s4  }
0xd: {  	[smem:$0x3FA6] =	sst s5  }
0xe: {  	[smem:$0x3FA7] =	sst s6  }
0xf: {  	[smem:$0x3FA8] =	sst s7  }
0x10: {  	[smem:$0x3FA9] =	sst s8  }
0x11: {  	[smem:$0x3FAA] =	sst s9;
	s0 =	simm.s32 @!p0 $0x0  }
0x12: {  	s1 =	sld [smem:$0x3F90];
	s0 =	simm.s32 @p0 $0x1  }
0x13: {  	[smem:$0x3FAB] =	sst s0;
	s0 =	simm.s32 @!p1 $0x0  }
0x14: {  	s2 =	sld [smem:$0x3F8F];
	s0 =	simm.s32 @p1 $0x1  }
0x15: {  	[smem:$0x3FAC] =	sst s0;
	s0 =	simm.s32 @!p2 $0x0  }
0x16: {  	s3 =	sld [smem:$0x3FDB];
	s0 =	simm.s32 @p2 $0x1  }
0x17: {  	s4 =	simm.s32 $0x1BF5;
	[smem:$0x3FAE] =	sst s0  }
0x18: {  	s0 =	sld [smem:$0x3F91];
	_ =	swait.ge [sflag:s4], $0x0  }
0x19: {  	s7 =	sld [smem:$0x3F92]  }
0x1a: {  	s8 =	sadd.s32 $0xFFFFE003, lr  }
0x1b: {  	s9 =	sadd.s32 $0xFFFFFEF7, lr;
	s5 =	simm.s32 $0xFFFFFFFF;
	p2 =	slt.u32 s8, $0xFFFFF086  }
0x1c: {  	p1 =	slt.u32 s9, $0xF7A;
	s5 =	simm.s32 @!p2 $0x0  }
0x1d: {  	s5 =	simm.s32 @p1 $0x1;
	p0 =	seq.s32 s7, s2  }
0x1e: {  	s7 =	smul.u32 @!p0 $0xF7A, s2;
	p2 =	seq.s32 @!p0 s5, $0x0  }
0x1f: {  	s9 =	smul.u32 $0xF7A, s1;
	s8 =	simm.s32 @!p0 $0x1BF5;
	p2 =	por !p2, p0  }
0x20: {  	[sflag:s8] =	ssyncset.s32 @!p0 $0xFFFFF086;
	s6 =	sadd.s32 @!p0 s3, s7;
	s7 =	simm.s32 @!p0 $0x108  }
0x21: {  	s3 =	sadd.s32 s3, s9;
	s6 =	sadd.s32 @!p0 $0x88, s6;
	s7 =	simm.s32 @p2 $0x1082  }
0x22: {  	[simem:s7], [sflag:s8] =	dma.local @!p0 [hbm:s6], $0xF7A  }
0x23: {  	s9 =	sor.u32 $0xD0000000, s2;
	s6 =	simm.s32 $0x108;
	_ =	swait.ge @!p0 [sflag:s8], $0x0  }
0x24: {  	s3 =	sadd.s32 $0x88, s3;
	s6 =	simm.s32 @!p1 $0x1082;
	[sflag:s4] =	ssyncset.s32 $0xFFFFF086  }
0x25: {  	[simem:s6], [sflag:s4] =	dma.local [hbm:s3], $0xF7A  }
0x26: {  	[smem:$0x3F92] =	sst s1;
	(tag) =	ssettag s2;
	_ =	strace s9  }
0x27: {  	s1 =	sld [smem:$0x3FA2]  }
0x28: {  	s2 =	sld [smem:$0x3FA3]  }
0x29: {  	s4 =	sld [smem:$0x3FA5]  }
0x2a: {  	p0 =	seq.s32 s5, $0x0;
	s5 =	sld [smem:$0x3FA6]  }
0x2b: {  	s6 =	sld [smem:$0x3FA7]  }
0x2c: {  	s7 =	sld [smem:$0x3FA8]  }
0x2d: {  	s3 =	simm.s32 $0x108;
	s8 =	sld [smem:$0x3FA9]  }
0x2e: {  	s3 =	simm.s32 @!p0 $0x1082;
	s9 =	sld [smem:$0x3FAA]  }
0x2f: {  	lr =	sadd.s32 s0, s3;
	s0 =	sld [smem:$0x3FA1]  }
0x30: {  	s3 =	sld [smem:$0x3FA4]  }
0x31: {  	[smem:$0x3FAD] =	sst s10  }
0x32: {  	s10 =	sld [smem:$0x3FAB];
	_ =	sdelay $0x3  }
0x33: {  	p0 =	seq.s32 s10, $0x1;
	s10 =	sld [smem:$0x3FAD];
	_ =	sdelay $0x3  }
0x34: {  	[smem:$0x3FAD] =	sst s10  }
0x35: {  	s10 =	sld [smem:$0x3FAC];
	_ =	sdelay $0x3  }
0x36: {  	p1 =	seq.s32 s10, $0x1;
	s10 =	sld [smem:$0x3FAD];
	_ =	sdelay $0x3  }
0x37: {  	[smem:$0x3FAD] =	sst s10  }
0x38: {  	s10 =	sld [smem:$0x3FAE]  }
0x39: {  	_ = 	snop;
	(pc) =	sbr.ind lr, $3  }
0x3a: {  	_ = 	snop  }
0x3b: {  	_ = 	snop  }
0x3c: {  	p2 =	seq.s32 s10, $0x1;
	s10 =	sld [smem:$0x3FAD]  }
0x3d: {  	_ =	shalt  }
0x3e: {  	_ =	shalt  }
0x3f: {  	_ =	shalt  }
0x40: {  	_ =	shalt  }
0x41: {  	_ =	shalt  }
0x42: {  	_ =	shalt  }
0x43: {  	_ =	shalt  }
0x44: {  	_ =	shalt  }
0x45: {  	_ =	shalt  }
0x46: {  	_ =	shalt  }
0x47: {  	_ =	shalt  }
0x48: {  	_ =	shalt  }
0x49: {  	_ =	shalt  }
0x4a: {  	_ =	shalt  }
0x4b: {  	_ =	shalt  }
0x4c: {  	_ =	shalt  }
0x4d: {  	_ =	shalt  }
0x4e: {  	_ =	shalt  }
0x4f: {  	_ =	shalt  }
0x50: {  	_ =	shalt  }
0x51: {  	_ =	shalt  }
0x52: {  	_ =	shalt  }
0x53: {  	_ =	shalt  }
0x54: {  	_ =	shalt  }
0x55: {  	_ =	shalt  }
0x56: {  	_ =	shalt  }
0x57: {  	_ =	shalt  }
0x58: {  	_ =	shalt  }
0x59: {  	_ =	shalt  }
0x5a: {  	_ =	shalt  }
0x5b: {  	_ =	shalt  }
0x5c: {  	_ =	shalt  }
0x5d: {  	_ =	shalt  }
0x5e: {  	_ =	shalt  }
0x5f: {  	_ =	shalt  }
0x60: {  	_ =	shalt  }
0x61: {  	_ =	shalt  }
0x62: {  	_ =	shalt  }
0x63: {  	_ =	shalt  }
0x64: {  	_ =	shalt  }
0x65: {  	_ =	shalt  }
0x66: {  	_ =	shalt  }
0x67: {  	_ =	shalt  }
0x68: {  	_ =	shalt  }
0x69: {  	_ =	shalt  }
0x6a: {  	_ =	shalt  }
0x6b: {  	_ =	shalt  }
0x6c: {  	_ =	shalt  }
0x6d: {  	_ =	shalt  }
0x6e: {  	_ =	shalt  }
0x6f: {  	_ =	shalt  }
0x70: {  	_ =	shalt  }
0x71: {  	_ =	shalt  }
0x72: {  	_ =	shalt  }
0x73: {  	_ =	shalt  }
0x74: {  	_ =	shalt  }
0x75: {  	_ =	shalt  }
0x76: {  	_ =	shalt  }
0x77: {  	_ =	shalt  }
0x78: {  	_ =	shalt  }
0x79: {  	_ =	shalt  }
0x7a: {  	_ =	shalt  }
0x7b: {  	_ =	shalt  }
0x7c: {  	_ =	shalt  }
0x7d: {  	_ =	shalt  }
0x7e: {  	_ =	shalt  }
0x7f: {  	_ =	shalt  }
0x80: {  	_ =	shalt  }
0x81: {  	_ =	shalt  }
0x82: {  	_ =	shalt  }
0x83: {  	_ =	shalt  }
0x84: {  	_ =	shalt  }
0x85: {  	_ =	shalt  }
0x86: {  	_ =	shalt  }
0x87: {  	_ =	shalt  }
.Lfunc_end0:
.L_simem_size_0:
called_computation_lowered:
.L_overlay_start_0:
0x88: {  	s2 =	sld [smem:$0x3FD9]  }
0x89: {  	s3 =	sld [smem:$0x3FFE];
	_ =	sdelay $0x1  }
0x8a: {  	s1 =	srdreg.scid  }
0x8b: {  	s0 =	sand.u32 $0x1, s1  }
0x8c: {  	s17 =	sshll.u32 s0, $0xA;
	s2 =	sadd.s32 s3, s2  }
0x8d: {  	s2 =	sadd.s32 s2, s17  }
0x8e: {  	[smem:$0x3FB9] =	sst s2  }
0x8f: {  	_ = 	snop  }
0x90: {  	s2 =	sld [smem:$0x3FC9];
	(tm) =	ssettm $0x1  }
0x91: {  	s18 =	sld [smem:$0x3FFB];
	_ =	sdelay $0x3  }
0x92: {  	_ =	strace s18  }
0x93: {  	s3 =	sld [smem:$0x3FFC];
	_ =	sdelay $0x3  }
0x94: {  	_ =	strace s3  }
0x95: {  	s3 =	sld [smem:$0x3FFD];
	_ =	sdelay $0x3  }
0x96: {  	_ =	strace s3  }
0x97: {  	_ =	strace $0x8FFFFFFF  }
0x98: {  	s19 =	sld [smem:$0x3FDB];
	_ =	sdelay $0x1  }
0x99: {  	s4 =	simm.s32 $_scs_section_size  }
0x9a: {  	s5 =	simm.s32 $_size__tile_overlayer_lowered;
	s6 =	simm.s32 $_tile_overlayer_lowered  }
0x9b: {  	s22 =	simm.s32 $0x1BFF;
	s21 =	sshll.u32 s6, $0x1;
	s3 =	sadd.s32 s4, s19  }
0x9c: {  	s7 =	simm.s32 $0x0;
	s20 =	sshll.u32 s5, $0x1;
	s5 =	sadd.s32 s21, s3  }
0x9d: {  	[timem:s7], [sflag:s22] =	dma.local [hbm:s5], s20  }
0x9e: {  	_ =	swait.ge [sflag:s22], s20  }
0x9f: {  	s4 =	ssub.s32 $0x0, s20;
	[sflag:s22] =	ssyncset.done $0x0  }
0xa0: {  	[sflag:s22] =	ssyncadd.s32 s4;
	_ =	sdelay $0x1  }
0xa1: {  	s23 =	simm.s32 $0x1B8B  }
0xa2: {  	_ =	swait.ge [sflag:s23], $0x1  }
0xa3: {  	[sflag:s23] =	ssyncset.done $0x0  }
0xa4: {  	s25 =	simm.s32 $0x1B8E;
	s24 =	sld [smem:$0x3FFE];
	[sflag:s23] =	ssyncadd.s32 $0xFFFFFFFF  }
0xa5: {  	s26 =	simm.s32 $execute0_lowered;
	[smem:$0x3FD2] =	sst s25  }
0xa6: {  	s5 =	sshll.u32 s26, $0x1;
	_ =	strace $0x80000046;
	[dreg:$0x1] =	wrdreg $0xFFFFFFFF  }
0xa7: {  	s28 =	simm.s32 $_size_execute0_lowered;
	s3 =	sadd.s32 s3, s5;
	[dreg:$0x0] =	wrdreg $0x0  }
0xa8: {  	s5 =	sshll.u32 s28, $0x1;
	[dreg:$0x2] =	wrdreg s3  }
0xa9: {  	[dreg:$0x3] =	wrdreg s5  }
0xaa: {  	[dreg:$0x4] =	wrdreg $0xC0  }
0xab: {  	_ =	task [dreg:s7], $0x5FFFF  }
0xac: {  	[dreg:$0x1] =	wrdreg $0xFFFFFFFF  }
0xad: {  	[dreg:$0x0] =	wrdreg $0x60  }
0xae: {  	[dreg:$0x2] =	wrdreg s24  }
0xaf: {  	[dreg:$0x3] =	wrdreg s2  }
0xb0: {  	[dreg:$0x4] =	wrdreg $0x8F800  }
0xb1: {  	[dreg:$0x5] =	wrdreg $0x9  }
0xb2: {  	_ =	task.clear_ibuf [dreg:s7], $0x6FFFF;
	_ =	strace $0x90000046  }
0xb3: {  	s29 =	simm.s32 $0x9;
	_ =	strace $0x80000048  }
0xb4: {  	_ =	swait.ge [sflag:s29], $0x1  }
0xb5: {  	[sflag:s29] =	ssyncadd.s32 $0xFFFFFFFF  }
0xb6: {  	_ =	strace $0x90000048  }
0xb7: {  	_ =	sfence  }
0xb8: {  	s30 =	sld [smem:$0x0];
	_ =	sdelay $0x2  }
0xb9: {  	s31 =	sshll.u32 s1, $0xD;
	s1 =	sshrl.u32 s1, $0x2  }
0xba: {  	s3 =	sand.u32 $0x4000, s31;
	s1 =	sadd.s32 s1, s30  }
0xbb: {  	s0 =	sor.u32 s3, s0;
	s1 =	sshll.u32 s1, $0x11  }
0xbc: {  	s0 =	sor.u32 s1, s0  }
0xbd: {  	s0 =	sadd.s32 $0x8F2B, s0  }
0xbe: {  	[sflag:s0] =	ssyncadd.remote.s32 $0x1  }
0xbf: {  	_ =	sfence.sel $0xFFFF  }
0xc0: {  	[dreg:$0x0] =	wrdreg $0xFFFFFFFF;
	(pc) =	sbr.abs _section_cstart, $3  }
0xc1: {  	[dreg:$0x1] =	wrdreg $0xFFFFFFFF  }
0xc2: {  	_ =	task.clear_ibuf [dreg:s7], $0x2FFFF;
	_ =	strace $0x9FFFFFFF  }
0xc3: {  	(tm) =	ssettm $0x7FFFFFFF  }
tec
execute0_lowered:
.L_overlay_start_1:
0x0: {  	(tag) =	ssettag $0x1  }
0x1: {  	s5 =	rddreg [dreg:$0x0]  }
0x2: {  	s2 =	rddreg [dreg:$0x1]  }
0x3: {  	s0 =	srdreg.scid;
	s3 =	rddreg [dreg:$0x2]  }
0x4: {  	s4 =	simm.s32 $0x0;
	s17 =	simm.s32 $0x6780;
	s18 =	simm.s32 $0x2  }
0x5: {  	s19 =	simm.s32 $0x80;
	s20 =	simm.s32 $0x400;
	s6 =	sand.u32 $0x1, s0  }
0x6: {  	s21 =	simm.s32 $0x50;
	s0 =	stileid.u32;
	s10 =	smul.u32 $0x13C000, s6  }
0x7: {  	s22 =	simm.s32 $0x1;
	[smem:$0x7FF] =	sst s4;
	s28 =	smul.u32 $0x13C00, s0  }
0x8: {  	s1 =	sshll.u32 s6, $0x4;
	s9 =	sshll.u32 s0, $0x7;
	s11 =	smul.u32 $0x4F000, s0  }
0x9: {  	s6 =	ssub.s32 $0x2, s6;
	s7 =	sor.u32 s0, s1;
	s1 =	rddreg [dreg:$0x3]  }
0xa: {  	s9 =	sand.u32 $0x380, s9;
	_ =	strace $0x80000047;
	s8 =	sshrl.u32 s7, $0x3  }
0xb: {  	s31 =	sshrl.u32 s6, $0x1;
	s7 =	sshll.u32 s7, $0xB;
	s8 =	smul.u32 $0x13C00, s8  }
0xc: {  	s29 =	sadd.s32 s28, s10;
	s30 =	sshrl.u32 s11, $0x2;
	s16 =	ssub.s32 s6, s31  }
0xd: {  	s14 =	sadd.s32 s7, s5;
	s7 =	sshrl.u32 s29, $0x3;
	s8 =	sor.u32 s9, s8  }
0xe: {  	s16 =	smax.u32 s16, $0x1;
	s15 =	sadd.s32 s7, s5;
	s8 =	sshrl.u32 s8, $0x3  }
0xf: {  	s14 =	sadd.s32 $0x4800, s14;
	s13 =	sadd.s32 s8, s5;
	s5 =	sadd.s32 s30, s3  }
0x10: {  	s15 =	sadd.s32 $0x1E600, s15;
	s6 =	sadd.s32 $0x2800, s5;
	s7 =	sadd.s32 $0x5000, s5  }
0x11: {  	s8 =	sadd.s32 $0x7800, s5;
	s9 =	sadd.s32 $0xA000, s5;
	s10 =	sadd.s32 $0xC800, s5  }
0x12: {  	v0 =	vimm.f32 $0.0e+00;
	s11 =	sadd.s32 $0xF000, s5;
	s12 =	sadd.s32 $0x11800, s5;
	s13 =	sadd.s32 $0x14800, s13  }
.LBB2_1:
0x13: {  	s23 =	simm.s32 $0x70;
	s24 =	simm.s32 $0x3C0  }
.LBB2_2:
0x14: {  	p0 =	sne.s32 s24, $0x9FC0;
	[tilespmem:s23+$0x6780] =	vst v0  }
0x15: {  	[tilespmem:s23+$0x6710] =	vst v0  }
0x16: {  	[tilespmem:s23+$0x6720] =	vst v0  }
.Ltmp0:
0x17: {  	[tilespmem:s23+$0x6730] =	vst v0;
	(pc) =	sbr.rel @p0 .LBB2_2-.Ltmp0, $4  }
0x18: {  	[tilespmem:s23+$0x6740] =	vst v0  }
0x19: {  	[tilespmem:s23+$0x6750] =	vst v0  }
0x1a: {  	[tilespmem:s23+$0x6760] =	vst v0  }
0x1b: {  	[tilespmem:s23+$0x6770] =	vst v0;
	s23 =	sshra.s32 s24, $0x2;
	s24 =	sadd.s32 $0x200, s24  }
0x1c: {  	[tilespmem:s23+$0x6780] =	vst v0  }
0x1d: {  	[tilespmem:s23+$0x6710] =	vst v0  }
0x1e: {  	[tilespmem:s23+$0x6720] =	vst v0  }
0x1f: {  	[tilespmem:s23+$0x6730] =	vst v0  }
0x20: {  	[tilespmem:s23+$0x6740] =	vst v0  }
0x21: {  	[tilespmem:s23+$0x6750] =	vst v0  }
0x22: {  	[tilespmem:s23+$0x6760] =	vst v0  }
0x23: {  	[tilespmem:s23+$0x6770] =	vst v0  }
0x24: {  	[spmem:s5] =	stream.linear.scatter [tilespmem:s17], [sflag:$0x2], $0x2800, $0x38;
	[tilespmem:$0x1CB80] =	vst v63  }
0x25: {  	_ =	swait.ge [sflag:s18], $0x2800  }
0x26: {  	[sflag:s18] =	ssyncset.done $0x0  }
0x27: {  	[sflag:s18] =	ssyncadd.s32 $0xFFFFD800  }
0x28: {  	[spmem:s6] =	stream.linear.scatter [tilespmem:s17], [sflag:$0x2], $0x2800, $0x38;
	[tilespmem:$0x1CB80] =	vst v63  }
0x29: {  	_ =	swait.ge [sflag:s18], $0x2800  }
0x2a: {  	[sflag:s18] =	ssyncset.done $0x0  }
0x2b: {  	[sflag:s18] =	ssyncadd.s32 $0xFFFFD800  }
0x2c: {  	[spmem:s7] =	stream.linear.scatter [tilespmem:s17], [sflag:$0x2], $0x2800, $0x38;
	[tilespmem:$0x1CB80] =	vst v63  }
0x2d: {  	_ =	swait.ge [sflag:s18], $0x2800  }
0x2e: {  	[sflag:s18] =	ssyncset.done $0x0  }
0x2f: {  	[sflag:s18] =	ssyncadd.s32 $0xFFFFD800  }
0x30: {  	[spmem:s8] =	stream.linear.scatter [tilespmem:s17], [sflag:$0x2], $0x2800, $0x38;
	[tilespmem:$0x1CB80] =	vst v63  }
0x31: {  	_ =	swait.ge [sflag:s18], $0x2800  }
0x32: {  	[sflag:s18] =	ssyncset.done $0x0  }
0x33: {  	[sflag:s18] =	ssyncadd.s32 $0xFFFFD800  }
0x34: {  	[spmem:s9] =	stream.linear.scatter [tilespmem:s17], [sflag:$0x2], $0x2800, $0x38;
	[tilespmem:$0x1CB80] =	vst v63  }
0x35: {  	_ =	swait.ge [sflag:s18], $0x2800  }
0x36: {  	[sflag:s18] =	ssyncset.done $0x0  }
0x37: {  	[sflag:s18] =	ssyncadd.s32 $0xFFFFD800  }
0x38: {  	[spmem:s10] =	stream.linear.scatter [tilespmem:s17], [sflag:$0x2], $0x2800, $0x38;
	[tilespmem:$0x1CB80] =	vst v63  }
0x39: {  	_ =	swait.ge [sflag:s18], $0x2800  }
0x3a: {  	[sflag:s18] =	ssyncset.done $0x0  }
0x3b: {  	[sflag:s18] =	ssyncadd.s32 $0xFFFFD800  }
0x3c: {  	[spmem:s11] =	stream.linear.scatter [tilespmem:s17], [sflag:$0x2], $0x2800, $0x38;
	[tilespmem:$0x1CB80] =	vst v63  }
0x3d: {  	_ =	swait.ge [sflag:s18], $0x2800  }
0x3e: {  	[sflag:s18] =	ssyncset.done $0x0  }
0x3f: {  	[sflag:s18] =	ssyncadd.s32 $0xFFFFD800  }
0x40: {  	[spmem:s12] =	stream.linear.scatter [tilespmem:s17], [sflag:$0x2], $0x2400, $0x38;
	[tilespmem:$0x1CB80] =	vst v63  }
0x41: {  	_ =	swait.ge [sflag:s18], $0x2400  }
0x42: {  	[sflag:s18] =	ssyncset.done $0x0  }
0x43: {  	s30 =	simm.s32 $0x0;
	[sflag:s18] =	ssyncadd.s32 $0xFFFFDC00  }
0x44: {  	[tilespmem:s30], [sflag:$0x2] =	stream.strided.gather [hbm4b:s13+s19], $0x2780, s20, s19, $0x38;
	[tilespmem:$0x1CB80] =	vst v63  }
0x45: {  	_ =	swait.ge [sflag:s18], $0x2780  }
0x46: {  	[sflag:s18] =	ssyncset.done $0x0  }
0x47: {  	s24 =	simm.s32 $0x2780;
	[sflag:s18] =	ssyncadd.s32 $0xFFFFD880  }
0x48: {  	[tilespmem:s24], [sflag:$0x2] =	stream.linear.gather [hbm4b:s14+s30], $0x3E80, $0x38;
	[tilespmem:$0x1CB80] =	vst v63  }
0x49: {  	_ =	swait.ge [sflag:s18], $0x3E80  }
0x4a: {  	[sflag:s18] =	ssyncset.done $0x0  }
0x4b: {  	[sflag:s18] =	ssyncadd.s32 $0xFFFFC180  }
0x4c: {  	s31 =	simm.s32 $0x0;
	[bflag:$0x0] =	sbarrier.arrive $0xFFFF  }
0x4d: {  	[tilespmem:s17], [sflag:$0x1] =	stream.indirect.gather [hbm4b:s2+s21], $0x80, s31, s21, $0xb8;
	[tilespmem:$0x1CB80] =	vst v63  }
0x4e: {  	_ =	swait.ge [sflag:s22], $0x2800  }
0x4f: {  	[sflag:s22] =	ssyncset.done $0x0  }
0x50: {  	[sflag:s22] =	ssyncadd.s32 $0xFFFFD800  }
0x51: {  	[spmem:s3] =	stream.indirect.scatter.add.f32 [tilespmem:s17], [sflag:$0x2], $0x80, s24, s21, $0xb8;
	[tilespmem:$0x1CB80] =	vst v63  }
0x52: {  	s25 =	simm.s32 $0x280;
	_ =	swait.ge [sflag:s18], $0x2800  }
0x53: {  	s23 =	simm.s32 $0x2800;
	s24 =	simm.s32 $0x140;
	[sflag:s18] =	ssyncset.done $0x0  }
.LBB2_4:
0x54: {  	s26 =	sshra.s32 s24, $0x2  }
0x55: {  	[sflag:s18] =	ssyncadd.s32 $0xFFFFD800;
	s24 =	smov.u32 s25;
	s28 =	sadd.s32 $0x140, s25  }
0x56: {  	[tilespmem:s17], [sflag:$0x1] =	stream.indirect.gather [hbm4b:s2+s21], $0x80, s26, s21, $0xb8;
	[tilespmem:$0x1CB80] =	vst v63  }
0x57: {  	p0 =	sne.s32 s25, $0x9B00;
	_ =	swait.ge [sflag:s22], $0x2800  }
.Ltmp1:
0x58: {  	[sflag:s22] =	ssyncset.done $0x0;
	(pc) =	sbr.rel @p0 .LBB2_4-.Ltmp1, $4  }
0x59: {  	[sflag:s22] =	ssyncadd.s32 $0xFFFFD800  }
0x5a: {  	[spmem:s3] =	stream.indirect.scatter.add.f32 [tilespmem:s17], [sflag:$0x2], $0x80, s23, s21, $0xb8;
	[tilespmem:$0x1CB80] =	vst v63  }
0x5b: {  	_ =	swait.ge [sflag:s18], $0x2800  }
0x5c: {  	s25 =	smov.u32 s28;
	s23 =	sadd.s32 $0x80, s23;
	[sflag:s18] =	ssyncset.done $0x0  }
0x5d: {  	s24 =	sshra.s32 s24, $0x2;
	[sflag:s18] =	ssyncadd.s32 $0xFFFFD800  }
0x5e: {  	[tilespmem:s17], [sflag:$0x1] =	stream.indirect.gather [hbm4b:s2+s21], $0x80, s24, s21, $0xb8;
	[tilespmem:$0x1CB80] =	vst v63  }
0x5f: {  	_ =	swait.ge [sflag:s22], $0x2800  }
0x60: {  	[sflag:s22] =	ssyncset.done $0x0  }
0x61: {  	[sflag:s22] =	ssyncadd.s32 $0xFFFFD800  }
0x62: {  	[spmem:s3] =	stream.indirect.scatter.add.f32 [tilespmem:s17], [sflag:$0x2], $0x80, s23, s21, $0xb8;
	[tilespmem:$0x1CB80] =	vst v63  }
0x63: {  	_ =	swait.ge [sflag:s18], $0x2800  }
0x64: {  	s30 =	sshll.u32 s0, $0x6;
	s4 =	sadd.s32 $0x1, s4;
	[sflag:s18] =	ssyncset.done $0x0  }
0x65: {  	s31 =	sshrl.u32 s5, $0x3;
	p0 =	sne.s32 s4, s16;
	[sflag:s18] =	ssyncadd.s32 $0xFFFFD800  }
.Ltmp2:
0x66: {  	s23 =	sor.u32 $0x1C02, s30;
	[bflag:$0x0] =	sbarrier.arrive $0xFFFF;
	(pc) =	sbr.rel @p0 .LBB2_1-.Ltmp2, $4  }
0x67: {  	[hbm:s15], [sflag:s23] =	dma.local [spmem:s31], $0x2780  }
0x68: {  	_ =	swait.ge [sflag:s18], $0x2780  }
0x69: {  	[sflag:s18] =	ssyncset.done $0x0  }
0x6a: {  	[sflag:s18] =	ssyncadd.s32 $0xFFFFD880  }
0x6b: {  	_ =	sfence.sel $0x180000  }
0x6c: {  	[bflag:$0x0] =	sbarrier.arrive $0xFFFF  }
0x6d: {  	p0 =	sne.s32 s0, $0x0;
	_ =	strace $0x90000047  }
0x6e: {  	s0 =	sadd.s32 @!p0 $0x100000, s1;
	[bflag:$0x2] =	sbarrier.arrive $0xFFFF  }
0x6f: {  	[sflag:s0] =	ssyncadd.tile.s32 @!p0 $0x1;
	_ =	shalt  }
.Lfunc_end2:
_tile_overlayer_lowered:
.L_overlay_start_2:
0x70: {  	(tag) =	ssettag $0x2  }
0x71: {  	s0 =	rddreg [dreg:$0x0];
	s2 =	stileid.u32  }
0x72: {  	s1 =	rddreg [dreg:$0x1];
	p0 =	sne.s32 s2, $0x0  }
0x73: {  	s3 =	rddreg [dreg:$0x2];
	[bflag:$0x3] =	sbarrier.arrive $0xFFFF;
	s2 =	simm.s32 @!p0 $0x1C02  }
0x74: {  	[timem:s3], [sflag:s2] =	dma.local @!p0 [hbm:s0], s1  }
0x75: {  	s0 =	simm.s32 @!p0 $0x2  }
0x76: {  	_ =	swait.ge @!p0 [sflag:s0], s1  }
0x77: {  	s1 =	ssub.s32 @!p0 $0x0, s1;
	[sflag:s0] =	ssyncset.done @!p0 $0x0  }
0x78: {  	[sflag:s0] =	ssyncadd.s32 @!p0 s1  }
0x79: {  	[bflag:$0x3] =	sbarrier.arrive $0xFFFF  }
0x7a: {  	_ =	shalt  }

</sc_bundles>
